<compile_context>
chip_gen: v7x
topology: tpu7x:2x2x1
jax: 0.10.2.dev20260603
libtpu: 0.0.44.dev20260713+nightly
codegen_flags: <defaults>
</compile_context>

<pallas_src>
import jax
import jax.numpy as jnp
from jax import lax
from jax.experimental import pallas as pl
from jax.experimental.pallas import tpu as pltpu
from jax.experimental.pallas import tpu_sc as plsc

_HEAD_DIM = 128
_ROPE_THETA = 10000.0

_NC, _NS = 2, 16
_NW = _NC * _NS
_K = 8
_NBUF = 6
_W = 3


def _rope_tc(S):
    inv_freq = 1.0 / (
        _ROPE_THETA ** (jnp.arange(0, _HEAD_DIM, 2, dtype=jnp.float32) / _HEAD_DIM)
    )
    inv2 = jnp.concatenate([inv_freq, inv_freq]).reshape(1, _HEAD_DIM)

    def body(inv_ref, out_ref):
        pos = lax.broadcasted_iota(jnp.int32, (S, _HEAD_DIM), 0).astype(jnp.float32)
        freqs = pos * inv_ref[0, :]
        out_ref[0] = jnp.cos(freqs)
        out_ref[1] = jnp.sin(freqs)

    return pl.pallas_call(
        body,
        out_shape=jax.ShapeDtypeStruct((2, S, _HEAD_DIM), jnp.float32),
    )(inv2)


def _gather_sc(ids3, table, N, D):
    b_per_w = N // _NW
    nch = b_per_w // _K
    mesh = plsc.VectorSubcoreMesh(core_axis_name="c", subcore_axis_name="s")

    head = _NBUF
    nloop = max(0, (nch - head - _W) // _NBUF)
    tail = nch - head - nloop * _NBUF
    assert _W < _NBUF and tail >= _W and head + nloop * _NBUF + tail == nch

    def body(ids_hbm, table_hbm, out_hbm, idx_v, *scr):
        bufs = scr[:_NBUF]
        gsems = scr[_NBUF:2 * _NBUF]
        ssems = scr[2 * _NBUF:]
        wid = lax.axis_index("s") * _NC + lax.axis_index("c")
        base = wid * b_per_w
        pltpu.sync_copy(ids_hbm.at[wid], idx_v)

        def g_start(c, j):
            pltpu.async_copy(table_hbm.at[idx_v.at[c]], bufs[j], gsems[j])

        def g_wait(j):
            pltpu.make_async_copy(
                table_hbm.at[idx_v.at[0]], bufs[j], gsems[j]).wait()

        def s_start(c, j):
            pltpu.async_copy(
                bufs[j], out_hbm.at[pl.ds(base + c * _K, _K)], ssems[j])

        def s_wait(j):
            pltpu.make_async_copy(
                bufs[j], out_hbm.at[pl.ds(base, _K)], ssems[j]).wait()

        def step(c, j, do_swait, do_gstart):
            g_wait(j)
            s_start(c, j)
            jn = (j + _W) % _NBUF
            if do_swait:
                s_wait(jn)
            if do_gstart:
                g_start(c + _W, jn)

        for c in range(_W):
            g_start(c, c % _NBUF)
        for c in range(head):
            step(c, c % _NBUF, do_swait=(c + _W >= _NBUF), do_gstart=True)

        def loop_body(i, carry):
            c0 = head + i * _NBUF
            for k in range(_NBUF):
                step(c0 + k, (head + k) % _NBUF, do_swait=True, do_gstart=True)
            return carry

        lax.fori_loop(0, nloop, loop_body, 0)

        for c in range(nch - tail, nch):
            step(c, c % _NBUF, do_swait=True, do_gstart=(c + _W < nch))
        for c in range(nch - (_NBUF - _W), nch):
            s_wait(c % _NBUF)

    run = pl.kernel(
        body,
        out_type=jax.ShapeDtypeStruct((N, D), jnp.float32),
        mesh=mesh,
        scratch_types=(
            [pltpu.VMEM((nch, _K), jnp.int32)]
            + [pltpu.VMEM((_K, D), jnp.float32) for _ in range(_NBUF)]
            + [pltpu.SemaphoreType.DMA for _ in range(2 * _NBUF)]
        ),
    )
    return run(ids3, table)


def kernel(input_ids, attention_mask, table):
    B, S = input_ids.shape
    D = table.shape[1]
    N = B * S
    assert N % (_NW * _K) == 0
    ids3 = input_ids.reshape(_NW, (N // _NW) // _K, _K)
    hidden = _gather_sc(ids3, table, N, D).reshape(B, S, D)
    position_embeddings = _rope_tc(S)[:, None]
    return (hidden, attention_mask, position_embeddings)

# --- scband reference (transcript-rebuilt; emitter-appended) ---
"""Pipeline reference for scband-llama-embedding-62998580298080 (READ-ONLY COPY).

The authoritative reference and input builder live on the scoring server;
editing this copy changes nothing except your own understanding.
"""

import jax, jax.numpy as jnp
import numpy as np

VOCAB = 100000
D_MODEL = 2048
HEAD_DIM = 128
ROPE_THETA = 10000.0
ATTN_SCALING = 1.0
B, S = 4, 4096


def setup_inputs(seed: int = 0) -> dict:
    key = jax.random.key(seed)
    k1, k2 = jax.random.split(key)
    input_ids = jax.random.randint(k1, (B, S), 0, VOCAB, dtype=jnp.int32)
    attention_mask = jnp.ones((B, S), dtype=jnp.int32)
    table = jax.random.normal(k2, (VOCAB, D_MODEL), dtype=jnp.float32) * 0.02
    return {"input_ids": input_ids, "attention_mask": attention_mask, "table": table}


def reference(input_ids, attention_mask, table):
    # RoPE default init: inv_freq = 1 / theta^(2i/head_dim)
    inv_freq = 1.0 / (ROPE_THETA ** (jnp.arange(0, HEAD_DIM, 2, dtype=jnp.float32) / HEAD_DIM))
    position_ids = jnp.arange(input_ids.shape[1], dtype=jnp.float32)[None, :]
    inv_freq_expanded = inv_freq[None, :, None]            # (1, HEAD_DIM//2, 1)
    position_ids_expanded = position_ids[:, None, :]        # (1, 1, S)
    freqs = jnp.transpose(inv_freq_expanded @ position_ids_expanded, (0, 2, 1))  # (1, S, HEAD_DIM//2)
    emb = jnp.concatenate((freqs, freqs), axis=-1)          # (1, S, HEAD_DIM)
    cos = jnp.cos(emb) * ATTN_SCALING
    sin = jnp.sin(emb) * ATTN_SCALING
    position_embeddings = jnp.stack((cos, sin), axis=0)     # (2, 1, S, HEAD_DIM)
    hidden = jnp.take(table, input_ids, axis=0)             # (B, S, D_MODEL) embedding gather
    return (hidden, attention_mask, position_embeddings)

if __name__ == "__main__":
    import jax
    _d = setup_inputs()
    print(jax.jit(kernel)(*tuple(_d.values())))

</pallas_src>

<mosaic_0001>
#map = affine_map<(d0, d1) -> (0, 0, 0)>
#map1 = affine_map<(d0, d1) -> (0, 0)>
module attributes {stable_mosaic.version = 14 : i64} {
  func.func @body(%arg0: i32, %arg1: i32, %arg2: memref<32x64x8xi32, #tpu.memory_space<hbm>>, %arg3: memref<100000x2048xf32, #tpu.memory_space<hbm>>, %arg4: memref<16384x2048xf32, #tpu.memory_space<hbm>>, %arg5: memref<64x8xi32, #tpu.memory_space<vmem>>, %arg6: memref<8x2048xf32, #tpu.memory_space<vmem>>, %arg7: memref<8x2048xf32, #tpu.memory_space<vmem>>, %arg8: memref<8x2048xf32, #tpu.memory_space<vmem>>, %arg9: memref<8x2048xf32, #tpu.memory_space<vmem>>, %arg10: memref<8x2048xf32, #tpu.memory_space<vmem>>, %arg11: memref<8x2048xf32, #tpu.memory_space<vmem>>, %arg12: memref<!tpu.dma_semaphore, #tpu.memory_space<semaphore_mem>>, %arg13: memref<!tpu.dma_semaphore, #tpu.memory_space<semaphore_mem>>, %arg14: memref<!tpu.dma_semaphore, #tpu.memory_space<semaphore_mem>>, %arg15: memref<!tpu.dma_semaphore, #tpu.memory_space<semaphore_mem>>, %arg16: memref<!tpu.dma_semaphore, #tpu.memory_space<semaphore_mem>>, %arg17: memref<!tpu.dma_semaphore, #tpu.memory_space<semaphore_mem>>, %arg18: memref<!tpu.dma_semaphore, #tpu.memory_space<semaphore_mem>>, %arg19: memref<!tpu.dma_semaphore, #tpu.memory_space<semaphore_mem>>, %arg20: memref<!tpu.dma_semaphore, #tpu.memory_space<semaphore_mem>>, %arg21: memref<!tpu.dma_semaphore, #tpu.memory_space<semaphore_mem>>, %arg22: memref<!tpu.dma_semaphore, #tpu.memory_space<semaphore_mem>>, %arg23: memref<!tpu.dma_semaphore, #tpu.memory_space<semaphore_mem>>) attributes {dimension_semantics = [#tpu.dimension_semantics<core_parallel>, #tpu.dimension_semantics<subcore_parallel>], iteration_bounds = array<i64: 2, 16>, scalar_prefetch = 0 : i64, scratch_operands = 19 : i64, tpu.core_type = #tpu.core_type<sc_vector_subcore>, window_params = [{transform_indices = #map}, {transform_indices = #map1}, {transform_indices = #map1}]} {
    %mul3A = arith.constant 2 : i32
    %mul3A_0 = arith.muli %arg1, %mul3A : i32
    %add3A = arith.addi %mul3A_0, %arg0 : i32
    %mul3A_1 = arith.constant 512 : i32
    %mul3A_2 = arith.muli %add3A, %mul3A_1 : i32
    "tpu.region"() ({
      %run_scoped3A = tpu.sem_alloc : memref<!tpu.dma_semaphore, #tpu.memory_space<semaphore_mem>>
      %dma_start3A_246 = arith.constant 0 : i32
      %dma_start3A_247 = arith.constant 0 : i32
      %dma_start3A_248 = tpu.memref_slice %arg2[%add3A, %dma_start3A_246, %dma_start3A_247] : memref<32x64x8xi32, #tpu.memory_space<hbm>> -> memref<1x64x8xi32, #tpu.memory_space<hbm>>
      %dma_start3A_249 = tpu.memref_squeeze %dma_start3A_248 : memref<1x64x8xi32, #tpu.memory_space<hbm>> -> memref<64x8xi32, #tpu.memory_space<hbm>>
      %dma_start3A_250 = arith.constant 0 : i32
      %dma_start3A_251 = arith.constant 0 : i32
      %dma_start3A_252 = tpu.memref_slice %arg2[%add3A, %dma_start3A_250, %dma_start3A_251] : memref<32x64x8xi32, #tpu.memory_space<hbm>> -> memref<1x64x8xi32, #tpu.memory_space<hbm>>
      %dma_start3A_253 = tpu.memref_squeeze %dma_start3A_252 : memref<1x64x8xi32, #tpu.memory_space<hbm>> -> memref<64x8xi32, #tpu.memory_space<hbm>>
      tpu.enqueue_dma source(%dma_start3A_253 : memref<64x8xi32, #tpu.memory_space<hbm>>) target(%arg5 : memref<64x8xi32, #tpu.memory_space<vmem>>) target_semaphore(%run_scoped3A : memref<!tpu.dma_semaphore, #tpu.memory_space<semaphore_mem>>)
      %dma_wait3A_254 = arith.constant 0 : i32
      %dma_wait3A_255 = arith.constant 0 : i32
      %dma_wait3A_256 = tpu.memref_slice %arg2[%add3A, %dma_wait3A_254, %dma_wait3A_255] : memref<32x64x8xi32, #tpu.memory_space<hbm>> -> memref<1x64x8xi32, #tpu.memory_space<hbm>>
      %dma_wait3A_257 = tpu.memref_squeeze %dma_wait3A_256 : memref<1x64x8xi32, #tpu.memory_space<hbm>> -> memref<64x8xi32, #tpu.memory_space<hbm>>
      %dma_wait3A_258 = arith.constant 0 : i32
      %dma_wait3A_259 = arith.constant 0 : i32
      %dma_wait3A_260 = tpu.memref_slice %arg2[%add3A, %dma_wait3A_258, %dma_wait3A_259] : memref<32x64x8xi32, #tpu.memory_space<hbm>> -> memref<1x64x8xi32, #tpu.memory_space<hbm>>
      %dma_wait3A_261 = tpu.memref_squeeze %dma_wait3A_260 : memref<1x64x8xi32, #tpu.memory_space<hbm>> -> memref<64x8xi32, #tpu.memory_space<hbm>>
      tpu.wait_dma2 semaphore(%run_scoped3A : memref<!tpu.dma_semaphore, #tpu.memory_space<semaphore_mem>>) src(%dma_wait3A_261 : memref<64x8xi32, #tpu.memory_space<hbm>>) dst(%arg5 : memref<64x8xi32, #tpu.memory_space<vmem>>)
      tpu.yield
    }) : () -> ()
    %dma_start3A = arith.constant 0 : i32
    %dma_start3A_3 = arith.constant 0 : i32
    %dma_start3A_4 = tpu.memref_slice %arg5[%dma_start3A, %dma_start3A_3] : memref<64x8xi32, #tpu.memory_space<vmem>> -> memref<1x8xi32, #tpu.memory_space<vmem>>
    %dma_start3A_5 = tpu.memref_squeeze %dma_start3A_4 : memref<1x8xi32, #tpu.memory_space<vmem>> -> memref<8xi32, #tpu.memory_space<vmem>>
    %dma_start3A_6 = arith.constant 0 : i32
    %dma_start3A_7 = arith.constant 0 : i32
    %dma_start3A_8 = tpu.memref_slice %arg3[%dma_start3A_6, %dma_start3A_7] : memref<100000x2048xf32, #tpu.memory_space<hbm>> -> memref<100000x2048xf32, #tpu.memory_space<hbm>>
    tpu.enqueue_indirect_dma source(%dma_start3A_8 : memref<100000x2048xf32, #tpu.memory_space<hbm>>) target(%arg6 : memref<8x2048xf32, #tpu.memory_space<vmem>>) offsets(%dma_start3A_5 : memref<8xi32, #tpu.memory_space<vmem>>) semaphore(%arg12 : memref<!tpu.dma_semaphore, #tpu.memory_space<semaphore_mem>>)
    %dma_start3A_9 = arith.constant 1 : i32
    %dma_start3A_10 = arith.constant 0 : i32
    %dma_start3A_11 = tpu.memref_slice %arg5[%dma_start3A_9, %dma_start3A_10] : memref<64x8xi32, #tpu.memory_space<vmem>> -> memref<1x8xi32, #tpu.memory_space<vmem>>
    %dma_start3A_12 = tpu.memref_squeeze %dma_start3A_11 : memref<1x8xi32, #tpu.memory_space<vmem>> -> memref<8xi32, #tpu.memory_space<vmem>>
    %dma_start3A_13 = arith.constant 0 : i32
    %dma_start3A_14 = arith.constant 0 : i32
    %dma_start3A_15 = tpu.memref_slice %arg3[%dma_start3A_13, %dma_start3A_14] : memref<100000x2048xf32, #tpu.memory_space<hbm>> -> memref<100000x2048xf32, #tpu.memory_space<hbm>>
    tpu.enqueue_indirect_dma source(%dma_start3A_15 : memref<100000x2048xf32, #tpu.memory_space<hbm>>) target(%arg7 : memref<8x2048xf32, #tpu.memory_space<vmem>>) offsets(%dma_start3A_12 : memref<8xi32, #tpu.memory_space<vmem>>) semaphore(%arg13 : memref<!tpu.dma_semaphore, #tpu.memory_space<semaphore_mem>>)
    %dma_start3A_16 = arith.constant 2 : i32
    %dma_start3A_17 = arith.constant 0 : i32
    %dma_start3A_18 = tpu.memref_slice %arg5[%dma_start3A_16, %dma_start3A_17] : memref<64x8xi32, #tpu.memory_space<vmem>> -> memref<1x8xi32, #tpu.memory_space<vmem>>
    %dma_start3A_19 = tpu.memref_squeeze %dma_start3A_18 : memref<1x8xi32, #tpu.memory_space<vmem>> -> memref<8xi32, #tpu.memory_space<vmem>>
    %dma_start3A_20 = arith.constant 0 : i32
    %dma_start3A_21 = arith.constant 0 : i32
    %dma_start3A_22 = tpu.memref_slice %arg3[%dma_start3A_20, %dma_start3A_21] : memref<100000x2048xf32, #tpu.memory_space<hbm>> -> memref<100000x2048xf32, #tpu.memory_space<hbm>>
    tpu.enqueue_indirect_dma source(%dma_start3A_22 : memref<100000x2048xf32, #tpu.memory_space<hbm>>) target(%arg8 : memref<8x2048xf32, #tpu.memory_space<vmem>>) offsets(%dma_start3A_19 : memref<8xi32, #tpu.memory_space<vmem>>) semaphore(%arg14 : memref<!tpu.dma_semaphore, #tpu.memory_space<semaphore_mem>>)
    %dma_wait3A = arith.constant 0 : i32
    %dma_wait3A_23 = arith.constant 0 : i32
    %dma_wait3A_24 = tpu.memref_slice %arg5[%dma_wait3A, %dma_wait3A_23] : memref<64x8xi32, #tpu.memory_space<vmem>> -> memref<1x8xi32, #tpu.memory_space<vmem>>
    %dma_wait3A_25 = tpu.memref_squeeze %dma_wait3A_24 : memref<1x8xi32, #tpu.memory_space<vmem>> -> memref<8xi32, #tpu.memory_space<vmem>>
    %dma_wait3A_26 = arith.constant 0 : i32
    %dma_wait3A_27 = arith.constant 0 : i32
    %dma_wait3A_28 = tpu.memref_slice %arg3[%dma_wait3A_26, %dma_wait3A_27] : memref<100000x2048xf32, #tpu.memory_space<hbm>> -> memref<100000x2048xf32, #tpu.memory_space<hbm>>
    tpu.wait_indirect_dma semaphore(%arg12 : memref<!tpu.dma_semaphore, #tpu.memory_space<semaphore_mem>>) src(%dma_wait3A_28 : memref<100000x2048xf32, #tpu.memory_space<hbm>>) dst(%arg6 : memref<8x2048xf32, #tpu.memory_space<vmem>>)
    %add3A_29 = arith.constant 0 : i32
    %add3A_30 = arith.addi %mul3A_2, %add3A_29 : i32
    %dma_start3A_31 = arith.constant 0 : i32
    %dma_start3A_32 = tpu.memref_slice %arg4[%add3A_30, %dma_start3A_31] : memref<16384x2048xf32, #tpu.memory_space<hbm>> -> memref<8x2048xf32, #tpu.memory_space<hbm>>
    %dma_start3A_33 = arith.constant 0 : i32
    %dma_start3A_34 = tpu.memref_slice %arg4[%add3A_30, %dma_start3A_33] : memref<16384x2048xf32, #tpu.memory_space<hbm>> -> memref<8x2048xf32, #tpu.memory_space<hbm>>
    tpu.enqueue_dma source(%arg6 : memref<8x2048xf32, #tpu.memory_space<vmem>>) target(%dma_start3A_34 : memref<8x2048xf32, #tpu.memory_space<hbm>>) target_semaphore(%arg18 : memref<!tpu.dma_semaphore, #tpu.memory_space<semaphore_mem>>)
    %dma_start3A_35 = arith.constant 3 : i32
    %dma_start3A_36 = arith.constant 0 : i32
    %dma_start3A_37 = tpu.memref_slice %arg5[%dma_start3A_35, %dma_start3A_36] : memref<64x8xi32, #tpu.memory_space<vmem>> -> memref<1x8xi32, #tpu.memory_space<vmem>>
    %dma_start3A_38 = tpu.memref_squeeze %dma_start3A_37 : memref<1x8xi32, #tpu.memory_space<vmem>> -> memref<8xi32, #tpu.memory_space<vmem>>
    %dma_start3A_39 = arith.constant 0 : i32
    %dma_start3A_40 = arith.constant 0 : i32
    %dma_start3A_41 = tpu.memref_slice %arg3[%dma_start3A_39, %dma_start3A_40] : memref<100000x2048xf32, #tpu.memory_space<hbm>> -> memref<100000x2048xf32, #tpu.memory_space<hbm>>
    tpu.enqueue_indirect_dma source(%dma_start3A_41 : memref<100000x2048xf32, #tpu.memory_space<hbm>>) target(%arg9 : memref<8x2048xf32, #tpu.memory_space<vmem>>) offsets(%dma_start3A_38 : memref<8xi32, #tpu.memory_space<vmem>>) semaphore(%arg15 : memref<!tpu.dma_semaphore, #tpu.memory_space<semaphore_mem>>)
    %dma_wait3A_42 = arith.constant 0 : i32
    %dma_wait3A_43 = arith.constant 0 : i32
    %dma_wait3A_44 = tpu.memref_slice %arg5[%dma_wait3A_42, %dma_wait3A_43] : memref<64x8xi32, #tpu.memory_space<vmem>> -> memref<1x8xi32, #tpu.memory_space<vmem>>
    %dma_wait3A_45 = tpu.memref_squeeze %dma_wait3A_44 : memref<1x8xi32, #tpu.memory_space<vmem>> -> memref<8xi32, #tpu.memory_space<vmem>>
    %dma_wait3A_46 = arith.constant 0 : i32
    %dma_wait3A_47 = arith.constant 0 : i32
    %dma_wait3A_48 = tpu.memref_slice %arg3[%dma_wait3A_46, %dma_wait3A_47] : memref<100000x2048xf32, #tpu.memory_space<hbm>> -> memref<100000x2048xf32, #tpu.memory_space<hbm>>
    tpu.wait_indirect_dma semaphore(%arg13 : memref<!tpu.dma_semaphore, #tpu.memory_space<semaphore_mem>>) src(%dma_wait3A_48 : memref<100000x2048xf32, #tpu.memory_space<hbm>>) dst(%arg7 : memref<8x2048xf32, #tpu.memory_space<vmem>>)
    %add3A_49 = arith.constant 8 : i32
    %add3A_50 = arith.addi %mul3A_2, %add3A_49 : i32
    %dma_start3A_51 = arith.constant 0 : i32
    %dma_start3A_52 = tpu.memref_slice %arg4[%add3A_50, %dma_start3A_51] : memref<16384x2048xf32, #tpu.memory_space<hbm>> -> memref<8x2048xf32, #tpu.memory_space<hbm>>
    %dma_start3A_53 = arith.constant 0 : i32
    %dma_start3A_54 = tpu.memref_slice %arg4[%add3A_50, %dma_start3A_53] : memref<16384x2048xf32, #tpu.memory_space<hbm>> -> memref<8x2048xf32, #tpu.memory_space<hbm>>
    tpu.enqueue_dma source(%arg7 : memref<8x2048xf32, #tpu.memory_space<vmem>>) target(%dma_start3A_54 : memref<8x2048xf32, #tpu.memory_space<hbm>>) target_semaphore(%arg19 : memref<!tpu.dma_semaphore, #tpu.memory_space<semaphore_mem>>)
    %dma_start3A_55 = arith.constant 4 : i32
    %dma_start3A_56 = arith.constant 0 : i32
    %dma_start3A_57 = tpu.memref_slice %arg5[%dma_start3A_55, %dma_start3A_56] : memref<64x8xi32, #tpu.memory_space<vmem>> -> memref<1x8xi32, #tpu.memory_space<vmem>>
    %dma_start3A_58 = tpu.memref_squeeze %dma_start3A_57 : memref<1x8xi32, #tpu.memory_space<vmem>> -> memref<8xi32, #tpu.memory_space<vmem>>
    %dma_start3A_59 = arith.constant 0 : i32
    %dma_start3A_60 = arith.constant 0 : i32
    %dma_start3A_61 = tpu.memref_slice %arg3[%dma_start3A_59, %dma_start3A_60] : memref<100000x2048xf32, #tpu.memory_space<hbm>> -> memref<100000x2048xf32, #tpu.memory_space<hbm>>
    tpu.enqueue_indirect_dma source(%dma_start3A_61 : memref<100000x2048xf32, #tpu.memory_space<hbm>>) target(%arg10 : memref<8x2048xf32, #tpu.memory_space<vmem>>) offsets(%dma_start3A_58 : memref<8xi32, #tpu.memory_space<vmem>>) semaphore(%arg16 : memref<!tpu.dma_semaphore, #tpu.memory_space<semaphore_mem>>)
    %dma_wait3A_62 = arith.constant 0 : i32
    %dma_wait3A_63 = arith.constant 0 : i32
    %dma_wait3A_64 = tpu.memref_slice %arg5[%dma_wait3A_62, %dma_wait3A_63] : memref<64x8xi32, #tpu.memory_space<vmem>> -> memref<1x8xi32, #tpu.memory_space<vmem>>
    %dma_wait3A_65 = tpu.memref_squeeze %dma_wait3A_64 : memref<1x8xi32, #tpu.memory_space<vmem>> -> memref<8xi32, #tpu.memory_space<vmem>>
    %dma_wait3A_66 = arith.constant 0 : i32
    %dma_wait3A_67 = arith.constant 0 : i32
    %dma_wait3A_68 = tpu.memref_slice %arg3[%dma_wait3A_66, %dma_wait3A_67] : memref<100000x2048xf32, #tpu.memory_space<hbm>> -> memref<100000x2048xf32, #tpu.memory_space<hbm>>
    tpu.wait_indirect_dma semaphore(%arg14 : memref<!tpu.dma_semaphore, #tpu.memory_space<semaphore_mem>>) src(%dma_wait3A_68 : memref<100000x2048xf32, #tpu.memory_space<hbm>>) dst(%arg8 : memref<8x2048xf32, #tpu.memory_space<vmem>>)
    %add3A_69 = arith.constant 16 : i32
    %add3A_70 = arith.addi %mul3A_2, %add3A_69 : i32
    %dma_start3A_71 = arith.constant 0 : i32
    %dma_start3A_72 = tpu.memref_slice %arg4[%add3A_70, %dma_start3A_71] : memref<16384x2048xf32, #tpu.memory_space<hbm>> -> memref<8x2048xf32, #tpu.memory_space<hbm>>
    %dma_start3A_73 = arith.constant 0 : i32
    %dma_start3A_74 = tpu.memref_slice %arg4[%add3A_70, %dma_start3A_73] : memref<16384x2048xf32, #tpu.memory_space<hbm>> -> memref<8x2048xf32, #tpu.memory_space<hbm>>
    tpu.enqueue_dma source(%arg8 : memref<8x2048xf32, #tpu.memory_space<vmem>>) target(%dma_start3A_74 : memref<8x2048xf32, #tpu.memory_space<hbm>>) target_semaphore(%arg20 : memref<!tpu.dma_semaphore, #tpu.memory_space<semaphore_mem>>)
    %dma_start3A_75 = arith.constant 5 : i32
    %dma_start3A_76 = arith.constant 0 : i32
    %dma_start3A_77 = tpu.memref_slice %arg5[%dma_start3A_75, %dma_start3A_76] : memref<64x8xi32, #tpu.memory_space<vmem>> -> memref<1x8xi32, #tpu.memory_space<vmem>>
    %dma_start3A_78 = tpu.memref_squeeze %dma_start3A_77 : memref<1x8xi32, #tpu.memory_space<vmem>> -> memref<8xi32, #tpu.memory_space<vmem>>
    %dma_start3A_79 = arith.constant 0 : i32
    %dma_start3A_80 = arith.constant 0 : i32
    %dma_start3A_81 = tpu.memref_slice %arg3[%dma_start3A_79, %dma_start3A_80] : memref<100000x2048xf32, #tpu.memory_space<hbm>> -> memref<100000x2048xf32, #tpu.memory_space<hbm>>
    tpu.enqueue_indirect_dma source(%dma_start3A_81 : memref<100000x2048xf32, #tpu.memory_space<hbm>>) target(%arg11 : memref<8x2048xf32, #tpu.memory_space<vmem>>) offsets(%dma_start3A_78 : memref<8xi32, #tpu.memory_space<vmem>>) semaphore(%arg17 : memref<!tpu.dma_semaphore, #tpu.memory_space<semaphore_mem>>)
    %dma_wait3A_82 = arith.constant 0 : i32
    %dma_wait3A_83 = arith.constant 0 : i32
    %dma_wait3A_84 = tpu.memref_slice %arg5[%dma_wait3A_82, %dma_wait3A_83] : memref<64x8xi32, #tpu.memory_space<vmem>> -> memref<1x8xi32, #tpu.memory_space<vmem>>
    %dma_wait3A_85 = tpu.memref_squeeze %dma_wait3A_84 : memref<1x8xi32, #tpu.memory_space<vmem>> -> memref<8xi32, #tpu.memory_space<vmem>>
    %dma_wait3A_86 = arith.constant 0 : i32
    %dma_wait3A_87 = arith.constant 0 : i32
    %dma_wait3A_88 = tpu.memref_slice %arg3[%dma_wait3A_86, %dma_wait3A_87] : memref<100000x2048xf32, #tpu.memory_space<hbm>> -> memref<100000x2048xf32, #tpu.memory_space<hbm>>
    tpu.wait_indirect_dma semaphore(%arg15 : memref<!tpu.dma_semaphore, #tpu.memory_space<semaphore_mem>>) src(%dma_wait3A_88 : memref<100000x2048xf32, #tpu.memory_space<hbm>>) dst(%arg9 : memref<8x2048xf32, #tpu.memory_space<vmem>>)
    %add3A_89 = arith.constant 24 : i32
    %add3A_90 = arith.addi %mul3A_2, %add3A_89 : i32
    %dma_start3A_91 = arith.constant 0 : i32
    %dma_start3A_92 = tpu.memref_slice %arg4[%add3A_90, %dma_start3A_91] : memref<16384x2048xf32, #tpu.memory_space<hbm>> -> memref<8x2048xf32, #tpu.memory_space<hbm>>
    %dma_start3A_93 = arith.constant 0 : i32
    %dma_start3A_94 = tpu.memref_slice %arg4[%add3A_90, %dma_start3A_93] : memref<16384x2048xf32, #tpu.memory_space<hbm>> -> memref<8x2048xf32, #tpu.memory_space<hbm>>
    tpu.enqueue_dma source(%arg9 : memref<8x2048xf32, #tpu.memory_space<vmem>>) target(%dma_start3A_94 : memref<8x2048xf32, #tpu.memory_space<hbm>>) target_semaphore(%arg21 : memref<!tpu.dma_semaphore, #tpu.memory_space<semaphore_mem>>)
    %dma_wait3A_95 = arith.constant 0 : i32
    %dma_wait3A_96 = tpu.memref_slice %arg4[%mul3A_2, %dma_wait3A_95] : memref<16384x2048xf32, #tpu.memory_space<hbm>> -> memref<8x2048xf32, #tpu.memory_space<hbm>>
    %dma_wait3A_97 = arith.constant 0 : i32
    %dma_wait3A_98 = tpu.memref_slice %arg4[%mul3A_2, %dma_wait3A_97] : memref<16384x2048xf32, #tpu.memory_space<hbm>> -> memref<8x2048xf32, #tpu.memory_space<hbm>>
    tpu.wait_dma2 semaphore(%arg18 : memref<!tpu.dma_semaphore, #tpu.memory_space<semaphore_mem>>) src(%arg6 : memref<8x2048xf32, #tpu.memory_space<vmem>>) dst(%dma_wait3A_98 : memref<8x2048xf32, #tpu.memory_space<hbm>>)
    %dma_start3A_99 = arith.constant 6 : i32
    %dma_start3A_100 = arith.constant 0 : i32
    %dma_start3A_101 = tpu.memref_slice %arg5[%dma_start3A_99, %dma_start3A_100] : memref<64x8xi32, #tpu.memory_space<vmem>> -> memref<1x8xi32, #tpu.memory_space<vmem>>
    %dma_start3A_102 = tpu.memref_squeeze %dma_start3A_101 : memref<1x8xi32, #tpu.memory_space<vmem>> -> memref<8xi32, #tpu.memory_space<vmem>>
    %dma_start3A_103 = arith.constant 0 : i32
    %dma_start3A_104 = arith.constant 0 : i32
    %dma_start3A_105 = tpu.memref_slice %arg3[%dma_start3A_103, %dma_start3A_104] : memref<100000x2048xf32, #tpu.memory_space<hbm>> -> memref<100000x2048xf32, #tpu.memory_space<hbm>>
    tpu.enqueue_indirect_dma source(%dma_start3A_105 : memref<100000x2048xf32, #tpu.memory_space<hbm>>) target(%arg6 : memref<8x2048xf32, #tpu.memory_space<vmem>>) offsets(%dma_start3A_102 : memref<8xi32, #tpu.memory_space<vmem>>) semaphore(%arg12 : memref<!tpu.dma_semaphore, #tpu.memory_space<semaphore_mem>>)
    %dma_wait3A_106 = arith.constant 0 : i32
    %dma_wait3A_107 = arith.constant 0 : i32
    %dma_wait3A_108 = tpu.memref_slice %arg5[%dma_wait3A_106, %dma_wait3A_107] : memref<64x8xi32, #tpu.memory_space<vmem>> -> memref<1x8xi32, #tpu.memory_space<vmem>>
    %dma_wait3A_109 = tpu.memref_squeeze %dma_wait3A_108 : memref<1x8xi32, #tpu.memory_space<vmem>> -> memref<8xi32, #tpu.memory_space<vmem>>
    %dma_wait3A_110 = arith.constant 0 : i32
    %dma_wait3A_111 = arith.constant 0 : i32
    %dma_wait3A_112 = tpu.memref_slice %arg3[%dma_wait3A_110, %dma_wait3A_111] : memref<100000x2048xf32, #tpu.memory_space<hbm>> -> memref<100000x2048xf32, #tpu.memory_space<hbm>>
    tpu.wait_indirect_dma semaphore(%arg16 : memref<!tpu.dma_semaphore, #tpu.memory_space<semaphore_mem>>) src(%dma_wait3A_112 : memref<100000x2048xf32, #tpu.memory_space<hbm>>) dst(%arg10 : memref<8x2048xf32, #tpu.memory_space<vmem>>)
    %add3A_113 = arith.constant 32 : i32
    %add3A_114 = arith.addi %mul3A_2, %add3A_113 : i32
    %dma_start3A_115 = arith.constant 0 : i32
    %dma_start3A_116 = tpu.memref_slice %arg4[%add3A_114, %dma_start3A_115] : memref<16384x2048xf32, #tpu.memory_space<hbm>> -> memref<8x2048xf32, #tpu.memory_space<hbm>>
    %dma_start3A_117 = arith.constant 0 : i32
    %dma_start3A_118 = tpu.memref_slice %arg4[%add3A_114, %dma_start3A_117] : memref<16384x2048xf32, #tpu.memory_space<hbm>> -> memref<8x2048xf32, #tpu.memory_space<hbm>>
    tpu.enqueue_dma source(%arg10 : memref<8x2048xf32, #tpu.memory_space<vmem>>) target(%dma_start3A_118 : memref<8x2048xf32, #tpu.memory_space<hbm>>) target_semaphore(%arg22 : memref<!tpu.dma_semaphore, #tpu.memory_space<semaphore_mem>>)
    %dma_wait3A_119 = arith.constant 0 : i32
    %dma_wait3A_120 = tpu.memref_slice %arg4[%mul3A_2, %dma_wait3A_119] : memref<16384x2048xf32, #tpu.memory_space<hbm>> -> memref<8x2048xf32, #tpu.memory_space<hbm>>
    %dma_wait3A_121 = arith.constant 0 : i32
    %dma_wait3A_122 = tpu.memref_slice %arg4[%mul3A_2, %dma_wait3A_121] : memref<16384x2048xf32, #tpu.memory_space<hbm>> -> memref<8x2048xf32, #tpu.memory_space<hbm>>
    tpu.wait_dma2 semaphore(%arg19 : memref<!tpu.dma_semaphore, #tpu.memory_space<semaphore_mem>>) src(%arg7 : memref<8x2048xf32, #tpu.memory_space<vmem>>) dst(%dma_wait3A_122 : memref<8x2048xf32, #tpu.memory_space<hbm>>)
    %dma_start3A_123 = arith.constant 7 : i32
    %dma_start3A_124 = arith.constant 0 : i32
    %dma_start3A_125 = tpu.memref_slice %arg5[%dma_start3A_123, %dma_start3A_124] : memref<64x8xi32, #tpu.memory_space<vmem>> -> memref<1x8xi32, #tpu.memory_space<vmem>>
    %dma_start3A_126 = tpu.memref_squeeze %dma_start3A_125 : memref<1x8xi32, #tpu.memory_space<vmem>> -> memref<8xi32, #tpu.memory_space<vmem>>
    %dma_start3A_127 = arith.constant 0 : i32
    %dma_start3A_128 = arith.constant 0 : i32
    %dma_start3A_129 = tpu.memref_slice %arg3[%dma_start3A_127, %dma_start3A_128] : memref<100000x2048xf32, #tpu.memory_space<hbm>> -> memref<100000x2048xf32, #tpu.memory_space<hbm>>
    tpu.enqueue_indirect_dma source(%dma_start3A_129 : memref<100000x2048xf32, #tpu.memory_space<hbm>>) target(%arg7 : memref<8x2048xf32, #tpu.memory_space<vmem>>) offsets(%dma_start3A_126 : memref<8xi32, #tpu.memory_space<vmem>>) semaphore(%arg13 : memref<!tpu.dma_semaphore, #tpu.memory_space<semaphore_mem>>)
    %dma_wait3A_130 = arith.constant 0 : i32
    %dma_wait3A_131 = arith.constant 0 : i32
    %dma_wait3A_132 = tpu.memref_slice %arg5[%dma_wait3A_130, %dma_wait3A_131] : memref<64x8xi32, #tpu.memory_space<vmem>> -> memref<1x8xi32, #tpu.memory_space<vmem>>
    %dma_wait3A_133 = tpu.memref_squeeze %dma_wait3A_132 : memref<1x8xi32, #tpu.memory_space<vmem>> -> memref<8xi32, #tpu.memory_space<vmem>>
    %dma_wait3A_134 = arith.constant 0 : i32
    %dma_wait3A_135 = arith.constant 0 : i32
    %dma_wait3A_136 = tpu.memref_slice %arg3[%dma_wait3A_134, %dma_wait3A_135] : memref<100000x2048xf32, #tpu.memory_space<hbm>> -> memref<100000x2048xf32, #tpu.memory_space<hbm>>
    tpu.wait_indirect_dma semaphore(%arg17 : memref<!tpu.dma_semaphore, #tpu.memory_space<semaphore_mem>>) src(%dma_wait3A_136 : memref<100000x2048xf32, #tpu.memory_space<hbm>>) dst(%arg11 : memref<8x2048xf32, #tpu.memory_space<vmem>>)
    %add3A_137 = arith.constant 40 : i32
    %add3A_138 = arith.addi %mul3A_2, %add3A_137 : i32
    %dma_start3A_139 = arith.constant 0 : i32
    %dma_start3A_140 = tpu.memref_slice %arg4[%add3A_138, %dma_start3A_139] : memref<16384x2048xf32, #tpu.memory_space<hbm>> -> memref<8x2048xf32, #tpu.memory_space<hbm>>
    %dma_start3A_141 = arith.constant 0 : i32
    %dma_start3A_142 = tpu.memref_slice %arg4[%add3A_138, %dma_start3A_141] : memref<16384x2048xf32, #tpu.memory_space<hbm>> -> memref<8x2048xf32, #tpu.memory_space<hbm>>
    tpu.enqueue_dma source(%arg11 : memref<8x2048xf32, #tpu.memory_space<vmem>>) target(%dma_start3A_142 : memref<8x2048xf32, #tpu.memory_space<hbm>>) target_semaphore(%arg23 : memref<!tpu.dma_semaphore, #tpu.memory_space<semaphore_mem>>)
    %dma_wait3A_143 = arith.constant 0 : i32
    %dma_wait3A_144 = tpu.memref_slice %arg4[%mul3A_2, %dma_wait3A_143] : memref<16384x2048xf32, #tpu.memory_space<hbm>> -> memref<8x2048xf32, #tpu.memory_space<hbm>>
    %dma_wait3A_145 = arith.constant 0 : i32
    %dma_wait3A_146 = tpu.memref_slice %arg4[%mul3A_2, %dma_wait3A_145] : memref<16384x2048xf32, #tpu.memory_space<hbm>> -> memref<8x2048xf32, #tpu.memory_space<hbm>>
    tpu.wait_dma2 semaphore(%arg20 : memref<!tpu.dma_semaphore, #tpu.memory_space<semaphore_mem>>) src(%arg8 : memref<8x2048xf32, #tpu.memory_space<vmem>>) dst(%dma_wait3A_146 : memref<8x2048xf32, #tpu.memory_space<hbm>>)
    %dma_start3A_147 = arith.constant 8 : i32
    %dma_start3A_148 = arith.constant 0 : i32
    %dma_start3A_149 = tpu.memref_slice %arg5[%dma_start3A_147, %dma_start3A_148] : memref<64x8xi32, #tpu.memory_space<vmem>> -> memref<1x8xi32, #tpu.memory_space<vmem>>
    %dma_start3A_150 = tpu.memref_squeeze %dma_start3A_149 : memref<1x8xi32, #tpu.memory_space<vmem>> -> memref<8xi32, #tpu.memory_space<vmem>>
    %dma_start3A_151 = arith.constant 0 : i32
    %dma_start3A_152 = arith.constant 0 : i32
    %dma_start3A_153 = tpu.memref_slice %arg3[%dma_start3A_151, %dma_start3A_152] : memref<100000x2048xf32, #tpu.memory_space<hbm>> -> memref<100000x2048xf32, #tpu.memory_space<hbm>>
    tpu.enqueue_indirect_dma source(%dma_start3A_153 : memref<100000x2048xf32, #tpu.memory_space<hbm>>) target(%arg8 : memref<8x2048xf32, #tpu.memory_space<vmem>>) offsets(%dma_start3A_150 : memref<8xi32, #tpu.memory_space<vmem>>) semaphore(%arg14 : memref<!tpu.dma_semaphore, #tpu.memory_space<semaphore_mem>>)
    %scan3A = arith.constant 0 : i32
    %scan3A_154 = arith.constant 0 : i32
    %scan3A_155 = arith.constant 9 : i32
    %scan3A_156 = arith.addi %scan3A_154, %scan3A_155 : i32
    %scan3A_157 = arith.constant 1 : i32
    scf.for %scan3A_246 = %scan3A_154 to %scan3A_156 step %scan3A_157  : i32 {
      %mul3A_247 = arith.constant 6 : i32
      %mul3A_248 = arith.muli %scan3A_246, %mul3A_247 : i32
      %add3A_249 = arith.constant 6 : i32
      %add3A_250 = arith.addi %add3A_249, %mul3A_248 : i32
      %add3A_251 = arith.constant 0 : i32
      %add3A_252 = arith.addi %add3A_250, %add3A_251 : i32
      %dma_wait3A_253 = arith.constant 0 : i32
      %dma_wait3A_254 = arith.constant 0 : i32
      %dma_wait3A_255 = tpu.memref_slice %arg5[%dma_wait3A_253, %dma_wait3A_254] : memref<64x8xi32, #tpu.memory_space<vmem>> -> memref<1x8xi32, #tpu.memory_space<vmem>>
      %dma_wait3A_256 = tpu.memref_squeeze %dma_wait3A_255 : memref<1x8xi32, #tpu.memory_space<vmem>> -> memref<8xi32, #tpu.memory_space<vmem>>
      %dma_wait3A_257 = arith.constant 0 : i32
      %dma_wait3A_258 = arith.constant 0 : i32
      %dma_wait3A_259 = tpu.memref_slice %arg3[%dma_wait3A_257, %dma_wait3A_258] : memref<100000x2048xf32, #tpu.memory_space<hbm>> -> memref<100000x2048xf32, #tpu.memory_space<hbm>>
      tpu.wait_indirect_dma semaphore(%arg12 : memref<!tpu.dma_semaphore, #tpu.memory_space<semaphore_mem>>) src(%dma_wait3A_259 : memref<100000x2048xf32, #tpu.memory_space<hbm>>) dst(%arg6 : memref<8x2048xf32, #tpu.memory_space<vmem>>)
      %mul3A_260 = arith.constant 8 : i32
      %mul3A_261 = arith.muli %add3A_252, %mul3A_260 : i32
      %add3A_262 = arith.addi %mul3A_2, %mul3A_261 : i32
      %dma_start3A_263 = arith.constant 0 : i32
      %dma_start3A_264 = tpu.memref_slice %arg4[%add3A_262, %dma_start3A_263] : memref<16384x2048xf32, #tpu.memory_space<hbm>> -> memref<8x2048xf32, #tpu.memory_space<hbm>>
      %dma_start3A_265 = arith.constant 0 : i32
      %dma_start3A_266 = tpu.memref_slice %arg4[%add3A_262, %dma_start3A_265] : memref<16384x2048xf32, #tpu.memory_space<hbm>> -> memref<8x2048xf32, #tpu.memory_space<hbm>>
      tpu.enqueue_dma source(%arg6 : memref<8x2048xf32, #tpu.memory_space<vmem>>) target(%dma_start3A_266 : memref<8x2048xf32, #tpu.memory_space<hbm>>) target_semaphore(%arg18 : memref<!tpu.dma_semaphore, #tpu.memory_space<semaphore_mem>>)
      %dma_wait3A_267 = arith.constant 0 : i32
      %dma_wait3A_268 = tpu.memref_slice %arg4[%mul3A_2, %dma_wait3A_267] : memref<16384x2048xf32, #tpu.memory_space<hbm>> -> memref<8x2048xf32, #tpu.memory_space<hbm>>
      %dma_wait3A_269 = arith.constant 0 : i32
      %dma_wait3A_270 = tpu.memref_slice %arg4[%mul3A_2, %dma_wait3A_269] : memref<16384x2048xf32, #tpu.memory_space<hbm>> -> memref<8x2048xf32, #tpu.memory_space<hbm>>
      tpu.wait_dma2 semaphore(%arg21 : memref<!tpu.dma_semaphore, #tpu.memory_space<semaphore_mem>>) src(%arg9 : memref<8x2048xf32, #tpu.memory_space<vmem>>) dst(%dma_wait3A_270 : memref<8x2048xf32, #tpu.memory_space<hbm>>)
      %add3A_271 = arith.constant 3 : i32
      %add3A_272 = arith.addi %add3A_252, %add3A_271 : i32
      %dma_start3A_273 = arith.constant 0 : i32
      %dma_start3A_274 = tpu.memref_slice %arg5[%add3A_272, %dma_start3A_273] : memref<64x8xi32, #tpu.memory_space<vmem>> -> memref<1x8xi32, #tpu.memory_space<vmem>>
      %dma_start3A_275 = tpu.memref_squeeze %dma_start3A_274 : memref<1x8xi32, #tpu.memory_space<vmem>> -> memref<8xi32, #tpu.memory_space<vmem>>
      %dma_start3A_276 = arith.constant 0 : i32
      %dma_start3A_277 = arith.constant 0 : i32
      %dma_start3A_278 = tpu.memref_slice %arg3[%dma_start3A_276, %dma_start3A_277] : memref<100000x2048xf32, #tpu.memory_space<hbm>> -> memref<100000x2048xf32, #tpu.memory_space<hbm>>
      tpu.enqueue_indirect_dma source(%dma_start3A_278 : memref<100000x2048xf32, #tpu.memory_space<hbm>>) target(%arg9 : memref<8x2048xf32, #tpu.memory_space<vmem>>) offsets(%dma_start3A_275 : memref<8xi32, #tpu.memory_space<vmem>>) semaphore(%arg15 : memref<!tpu.dma_semaphore, #tpu.memory_space<semaphore_mem>>)
      %add3A_279 = arith.constant 1 : i32
      %add3A_280 = arith.addi %add3A_250, %add3A_279 : i32
      %dma_wait3A_281 = arith.constant 0 : i32
      %dma_wait3A_282 = arith.constant 0 : i32
      %dma_wait3A_283 = tpu.memref_slice %arg5[%dma_wait3A_281, %dma_wait3A_282] : memref<64x8xi32, #tpu.memory_space<vmem>> -> memref<1x8xi32, #tpu.memory_space<vmem>>
      %dma_wait3A_284 = tpu.memref_squeeze %dma_wait3A_283 : memref<1x8xi32, #tpu.memory_space<vmem>> -> memref<8xi32, #tpu.memory_space<vmem>>
      %dma_wait3A_285 = arith.constant 0 : i32
      %dma_wait3A_286 = arith.constant 0 : i32
      %dma_wait3A_287 = tpu.memref_slice %arg3[%dma_wait3A_285, %dma_wait3A_286] : memref<100000x2048xf32, #tpu.memory_space<hbm>> -> memref<100000x2048xf32, #tpu.memory_space<hbm>>
      tpu.wait_indirect_dma semaphore(%arg13 : memref<!tpu.dma_semaphore, #tpu.memory_space<semaphore_mem>>) src(%dma_wait3A_287 : memref<100000x2048xf32, #tpu.memory_space<hbm>>) dst(%arg7 : memref<8x2048xf32, #tpu.memory_space<vmem>>)
      %mul3A_288 = arith.constant 8 : i32
      %mul3A_289 = arith.muli %add3A_280, %mul3A_288 : i32
      %add3A_290 = arith.addi %mul3A_2, %mul3A_289 : i32
      %dma_start3A_291 = arith.constant 0 : i32
      %dma_start3A_292 = tpu.memref_slice %arg4[%add3A_290, %dma_start3A_291] : memref<16384x2048xf32, #tpu.memory_space<hbm>> -> memref<8x2048xf32, #tpu.memory_space<hbm>>
      %dma_start3A_293 = arith.constant 0 : i32
      %dma_start3A_294 = tpu.memref_slice %arg4[%add3A_290, %dma_start3A_293] : memref<16384x2048xf32, #tpu.memory_space<hbm>> -> memref<8x2048xf32, #tpu.memory_space<hbm>>
      tpu.enqueue_dma source(%arg7 : memref<8x2048xf32, #tpu.memory_space<vmem>>) target(%dma_start3A_294 : memref<8x2048xf32, #tpu.memory_space<hbm>>) target_semaphore(%arg19 : memref<!tpu.dma_semaphore, #tpu.memory_space<semaphore_mem>>)
      %dma_wait3A_295 = arith.constant 0 : i32
      %dma_wait3A_296 = tpu.memref_slice %arg4[%mul3A_2, %dma_wait3A_295] : memref<16384x2048xf32, #tpu.memory_space<hbm>> -> memref<8x2048xf32, #tpu.memory_space<hbm>>
      %dma_wait3A_297 = arith.constant 0 : i32
      %dma_wait3A_298 = tpu.memref_slice %arg4[%mul3A_2, %dma_wait3A_297] : memref<16384x2048xf32, #tpu.memory_space<hbm>> -> memref<8x2048xf32, #tpu.memory_space<hbm>>
      tpu.wait_dma2 semaphore(%arg22 : memref<!tpu.dma_semaphore, #tpu.memory_space<semaphore_mem>>) src(%arg10 : memref<8x2048xf32, #tpu.memory_space<vmem>>) dst(%dma_wait3A_298 : memref<8x2048xf32, #tpu.memory_space<hbm>>)
      %add3A_299 = arith.constant 3 : i32
      %add3A_300 = arith.addi %add3A_280, %add3A_299 : i32
      %dma_start3A_301 = arith.constant 0 : i32
      %dma_start3A_302 = tpu.memref_slice %arg5[%add3A_300, %dma_start3A_301] : memref<64x8xi32, #tpu.memory_space<vmem>> -> memref<1x8xi32, #tpu.memory_space<vmem>>
      %dma_start3A_303 = tpu.memref_squeeze %dma_start3A_302 : memref<1x8xi32, #tpu.memory_space<vmem>> -> memref<8xi32, #tpu.memory_space<vmem>>
      %dma_start3A_304 = arith.constant 0 : i32
      %dma_start3A_305 = arith.constant 0 : i32
      %dma_start3A_306 = tpu.memref_slice %arg3[%dma_start3A_304, %dma_start3A_305] : memref<100000x2048xf32, #tpu.memory_space<hbm>> -> memref<100000x2048xf32, #tpu.memory_space<hbm>>
      tpu.enqueue_indirect_dma source(%dma_start3A_306 : memref<100000x2048xf32, #tpu.memory_space<hbm>>) target(%arg10 : memref<8x2048xf32, #tpu.memory_space<vmem>>) offsets(%dma_start3A_303 : memref<8xi32, #tpu.memory_space<vmem>>) semaphore(%arg16 : memref<!tpu.dma_semaphore, #tpu.memory_space<semaphore_mem>>)
      %add3A_307 = arith.constant 2 : i32
      %add3A_308 = arith.addi %add3A_250, %add3A_307 : i32
      %dma_wait3A_309 = arith.constant 0 : i32
      %dma_wait3A_310 = arith.constant 0 : i32
      %dma_wait3A_311 = tpu.memref_slice %arg5[%dma_wait3A_309, %dma_wait3A_310] : memref<64x8xi32, #tpu.memory_space<vmem>> -> memref<1x8xi32, #tpu.memory_space<vmem>>
      %dma_wait3A_312 = tpu.memref_squeeze %dma_wait3A_311 : memref<1x8xi32, #tpu.memory_space<vmem>> -> memref<8xi32, #tpu.memory_space<vmem>>
      %dma_wait3A_313 = arith.constant 0 : i32
      %dma_wait3A_314 = arith.constant 0 : i32
      %dma_wait3A_315 = tpu.memref_slice %arg3[%dma_wait3A_313, %dma_wait3A_314] : memref<100000x2048xf32, #tpu.memory_space<hbm>> -> memref<100000x2048xf32, #tpu.memory_space<hbm>>
      tpu.wait_indirect_dma semaphore(%arg14 : memref<!tpu.dma_semaphore, #tpu.memory_space<semaphore_mem>>) src(%dma_wait3A_315 : memref<100000x2048xf32, #tpu.memory_space<hbm>>) dst(%arg8 : memref<8x2048xf32, #tpu.memory_space<vmem>>)
      %mul3A_316 = arith.constant 8 : i32
      %mul3A_317 = arith.muli %add3A_308, %mul3A_316 : i32
      %add3A_318 = arith.addi %mul3A_2, %mul3A_317 : i32
      %dma_start3A_319 = arith.constant 0 : i32
      %dma_start3A_320 = tpu.memref_slice %arg4[%add3A_318, %dma_start3A_319] : memref<16384x2048xf32, #tpu.memory_space<hbm>> -> memref<8x2048xf32, #tpu.memory_space<hbm>>
      %dma_start3A_321 = arith.constant 0 : i32
      %dma_start3A_322 = tpu.memref_slice %arg4[%add3A_318, %dma_start3A_321] : memref<16384x2048xf32, #tpu.memory_space<hbm>> -> memref<8x2048xf32, #tpu.memory_space<hbm>>
      tpu.enqueue_dma source(%arg8 : memref<8x2048xf32, #tpu.memory_space<vmem>>) target(%dma_start3A_322 : memref<8x2048xf32, #tpu.memory_space<hbm>>) target_semaphore(%arg20 : memref<!tpu.dma_semaphore, #tpu.memory_space<semaphore_mem>>)
      %dma_wait3A_323 = arith.constant 0 : i32
      %dma_wait3A_324 = tpu.memref_slice %arg4[%mul3A_2, %dma_wait3A_323] : memref<16384x2048xf32, #tpu.memory_space<hbm>> -> memref<8x2048xf32, #tpu.memory_space<hbm>>
      %dma_wait3A_325 = arith.constant 0 : i32
      %dma_wait3A_326 = tpu.memref_slice %arg4[%mul3A_2, %dma_wait3A_325] : memref<16384x2048xf32, #tpu.memory_space<hbm>> -> memref<8x2048xf32, #tpu.memory_space<hbm>>
      tpu.wait_dma2 semaphore(%arg23 : memref<!tpu.dma_semaphore, #tpu.memory_space<semaphore_mem>>) src(%arg11 : memref<8x2048xf32, #tpu.memory_space<vmem>>) dst(%dma_wait3A_326 : memref<8x2048xf32, #tpu.memory_space<hbm>>)
      %add3A_327 = arith.constant 3 : i32
      %add3A_328 = arith.addi %add3A_308, %add3A_327 : i32
      %dma_start3A_329 = arith.constant 0 : i32
      %dma_start3A_330 = tpu.memref_slice %arg5[%add3A_328, %dma_start3A_329] : memref<64x8xi32, #tpu.memory_space<vmem>> -> memref<1x8xi32, #tpu.memory_space<vmem>>
      %dma_start3A_331 = tpu.memref_squeeze %dma_start3A_330 : memref<1x8xi32, #tpu.memory_space<vmem>> -> memref<8xi32, #tpu.memory_space<vmem>>
      %dma_start3A_332 = arith.constant 0 : i32
      %dma_start3A_333 = arith.constant 0 : i32
      %dma_start3A_334 = tpu.memref_slice %arg3[%dma_start3A_332, %dma_start3A_333] : memref<100000x2048xf32, #tpu.memory_space<hbm>> -> memref<100000x2048xf32, #tpu.memory_space<hbm>>
      tpu.enqueue_indirect_dma source(%dma_start3A_334 : memref<100000x2048xf32, #tpu.memory_space<hbm>>) target(%arg11 : memref<8x2048xf32, #tpu.memory_space<vmem>>) offsets(%dma_start3A_331 : memref<8xi32, #tpu.memory_space<vmem>>) semaphore(%arg17 : memref<!tpu.dma_semaphore, #tpu.memory_space<semaphore_mem>>)
      %add3A_335 = arith.constant 3 : i32
      %add3A_336 = arith.addi %add3A_250, %add3A_335 : i32
      %dma_wait3A_337 = arith.constant 0 : i32
      %dma_wait3A_338 = arith.constant 0 : i32
      %dma_wait3A_339 = tpu.memref_slice %arg5[%dma_wait3A_337, %dma_wait3A_338] : memref<64x8xi32, #tpu.memory_space<vmem>> -> memref<1x8xi32, #tpu.memory_space<vmem>>
      %dma_wait3A_340 = tpu.memref_squeeze %dma_wait3A_339 : memref<1x8xi32, #tpu.memory_space<vmem>> -> memref<8xi32, #tpu.memory_space<vmem>>
      %dma_wait3A_341 = arith.constant 0 : i32
      %dma_wait3A_342 = arith.constant 0 : i32
      %dma_wait3A_343 = tpu.memref_slice %arg3[%dma_wait3A_341, %dma_wait3A_342] : memref<100000x2048xf32, #tpu.memory_space<hbm>> -> memref<100000x2048xf32, #tpu.memory_space<hbm>>
      tpu.wait_indirect_dma semaphore(%arg15 : memref<!tpu.dma_semaphore, #tpu.memory_space<semaphore_mem>>) src(%dma_wait3A_343 : memref<100000x2048xf32, #tpu.memory_space<hbm>>) dst(%arg9 : memref<8x2048xf32, #tpu.memory_space<vmem>>)
      %mul3A_344 = arith.constant 8 : i32
      %mul3A_345 = arith.muli %add3A_336, %mul3A_344 : i32
      %add3A_346 = arith.addi %mul3A_2, %mul3A_345 : i32
      %dma_start3A_347 = arith.constant 0 : i32
      %dma_start3A_348 = tpu.memref_slice %arg4[%add3A_346, %dma_start3A_347] : memref<16384x2048xf32, #tpu.memory_space<hbm>> -> memref<8x2048xf32, #tpu.memory_space<hbm>>
      %dma_start3A_349 = arith.constant 0 : i32
      %dma_start3A_350 = tpu.memref_slice %arg4[%add3A_346, %dma_start3A_349] : memref<16384x2048xf32, #tpu.memory_space<hbm>> -> memref<8x2048xf32, #tpu.memory_space<hbm>>
      tpu.enqueue_dma source(%arg9 : memref<8x2048xf32, #tpu.memory_space<vmem>>) target(%dma_start3A_350 : memref<8x2048xf32, #tpu.memory_space<hbm>>) target_semaphore(%arg21 : memref<!tpu.dma_semaphore, #tpu.memory_space<semaphore_mem>>)
      %dma_wait3A_351 = arith.constant 0 : i32
      %dma_wait3A_352 = tpu.memref_slice %arg4[%mul3A_2, %dma_wait3A_351] : memref<16384x2048xf32, #tpu.memory_space<hbm>> -> memref<8x2048xf32, #tpu.memory_space<hbm>>
      %dma_wait3A_353 = arith.constant 0 : i32
      %dma_wait3A_354 = tpu.memref_slice %arg4[%mul3A_2, %dma_wait3A_353] : memref<16384x2048xf32, #tpu.memory_space<hbm>> -> memref<8x2048xf32, #tpu.memory_space<hbm>>
      tpu.wait_dma2 semaphore(%arg18 : memref<!tpu.dma_semaphore, #tpu.memory_space<semaphore_mem>>) src(%arg6 : memref<8x2048xf32, #tpu.memory_space<vmem>>) dst(%dma_wait3A_354 : memref<8x2048xf32, #tpu.memory_space<hbm>>)
      %add3A_355 = arith.constant 3 : i32
      %add3A_356 = arith.addi %add3A_336, %add3A_355 : i32
      %dma_start3A_357 = arith.constant 0 : i32
      %dma_start3A_358 = tpu.memref_slice %arg5[%add3A_356, %dma_start3A_357] : memref<64x8xi32, #tpu.memory_space<vmem>> -> memref<1x8xi32, #tpu.memory_space<vmem>>
      %dma_start3A_359 = tpu.memref_squeeze %dma_start3A_358 : memref<1x8xi32, #tpu.memory_space<vmem>> -> memref<8xi32, #tpu.memory_space<vmem>>
      %dma_start3A_360 = arith.constant 0 : i32
      %dma_start3A_361 = arith.constant 0 : i32
      %dma_start3A_362 = tpu.memref_slice %arg3[%dma_start3A_360, %dma_start3A_361] : memref<100000x2048xf32, #tpu.memory_space<hbm>> -> memref<100000x2048xf32, #tpu.memory_space<hbm>>
      tpu.enqueue_indirect_dma source(%dma_start3A_362 : memref<100000x2048xf32, #tpu.memory_space<hbm>>) target(%arg6 : memref<8x2048xf32, #tpu.memory_space<vmem>>) offsets(%dma_start3A_359 : memref<8xi32, #tpu.memory_space<vmem>>) semaphore(%arg12 : memref<!tpu.dma_semaphore, #tpu.memory_space<semaphore_mem>>)
      %add3A_363 = arith.constant 4 : i32
      %add3A_364 = arith.addi %add3A_250, %add3A_363 : i32
      %dma_wait3A_365 = arith.constant 0 : i32
      %dma_wait3A_366 = arith.constant 0 : i32
      %dma_wait3A_367 = tpu.memref_slice %arg5[%dma_wait3A_365, %dma_wait3A_366] : memref<64x8xi32, #tpu.memory_space<vmem>> -> memref<1x8xi32, #tpu.memory_space<vmem>>
      %dma_wait3A_368 = tpu.memref_squeeze %dma_wait3A_367 : memref<1x8xi32, #tpu.memory_space<vmem>> -> memref<8xi32, #tpu.memory_space<vmem>>
      %dma_wait3A_369 = arith.constant 0 : i32
      %dma_wait3A_370 = arith.constant 0 : i32
      %dma_wait3A_371 = tpu.memref_slice %arg3[%dma_wait3A_369, %dma_wait3A_370] : memref<100000x2048xf32, #tpu.memory_space<hbm>> -> memref<100000x2048xf32, #tpu.memory_space<hbm>>
      tpu.wait_indirect_dma semaphore(%arg16 : memref<!tpu.dma_semaphore, #tpu.memory_space<semaphore_mem>>) src(%dma_wait3A_371 : memref<100000x2048xf32, #tpu.memory_space<hbm>>) dst(%arg10 : memref<8x2048xf32, #tpu.memory_space<vmem>>)
      %mul3A_372 = arith.constant 8 : i32
      %mul3A_373 = arith.muli %add3A_364, %mul3A_372 : i32
      %add3A_374 = arith.addi %mul3A_2, %mul3A_373 : i32
      %dma_start3A_375 = arith.constant 0 : i32
      %dma_start3A_376 = tpu.memref_slice %arg4[%add3A_374, %dma_start3A_375] : memref<16384x2048xf32, #tpu.memory_space<hbm>> -> memref<8x2048xf32, #tpu.memory_space<hbm>>
      %dma_start3A_377 = arith.constant 0 : i32
      %dma_start3A_378 = tpu.memref_slice %arg4[%add3A_374, %dma_start3A_377] : memref<16384x2048xf32, #tpu.memory_space<hbm>> -> memref<8x2048xf32, #tpu.memory_space<hbm>>
      tpu.enqueue_dma source(%arg10 : memref<8x2048xf32, #tpu.memory_space<vmem>>) target(%dma_start3A_378 : memref<8x2048xf32, #tpu.memory_space<hbm>>) target_semaphore(%arg22 : memref<!tpu.dma_semaphore, #tpu.memory_space<semaphore_mem>>)
      %dma_wait3A_379 = arith.constant 0 : i32
      %dma_wait3A_380 = tpu.memref_slice %arg4[%mul3A_2, %dma_wait3A_379] : memref<16384x2048xf32, #tpu.memory_space<hbm>> -> memref<8x2048xf32, #tpu.memory_space<hbm>>
      %dma_wait3A_381 = arith.constant 0 : i32
      %dma_wait3A_382 = tpu.memref_slice %arg4[%mul3A_2, %dma_wait3A_381] : memref<16384x2048xf32, #tpu.memory_space<hbm>> -> memref<8x2048xf32, #tpu.memory_space<hbm>>
      tpu.wait_dma2 semaphore(%arg19 : memref<!tpu.dma_semaphore, #tpu.memory_space<semaphore_mem>>) src(%arg7 : memref<8x2048xf32, #tpu.memory_space<vmem>>) dst(%dma_wait3A_382 : memref<8x2048xf32, #tpu.memory_space<hbm>>)
      %add3A_383 = arith.constant 3 : i32
      %add3A_384 = arith.addi %add3A_364, %add3A_383 : i32
      %dma_start3A_385 = arith.constant 0 : i32
      %dma_start3A_386 = tpu.memref_slice %arg5[%add3A_384, %dma_start3A_385] : memref<64x8xi32, #tpu.memory_space<vmem>> -> memref<1x8xi32, #tpu.memory_space<vmem>>
      %dma_start3A_387 = tpu.memref_squeeze %dma_start3A_386 : memref<1x8xi32, #tpu.memory_space<vmem>> -> memref<8xi32, #tpu.memory_space<vmem>>
      %dma_start3A_388 = arith.constant 0 : i32
      %dma_start3A_389 = arith.constant 0 : i32
      %dma_start3A_390 = tpu.memref_slice %arg3[%dma_start3A_388, %dma_start3A_389] : memref<100000x2048xf32, #tpu.memory_space<hbm>> -> memref<100000x2048xf32, #tpu.memory_space<hbm>>
      tpu.enqueue_indirect_dma source(%dma_start3A_390 : memref<100000x2048xf32, #tpu.memory_space<hbm>>) target(%arg7 : memref<8x2048xf32, #tpu.memory_space<vmem>>) offsets(%dma_start3A_387 : memref<8xi32, #tpu.memory_space<vmem>>) semaphore(%arg13 : memref<!tpu.dma_semaphore, #tpu.memory_space<semaphore_mem>>)
      %add3A_391 = arith.constant 5 : i32
      %add3A_392 = arith.addi %add3A_250, %add3A_391 : i32
      %dma_wait3A_393 = arith.constant 0 : i32
      %dma_wait3A_394 = arith.constant 0 : i32
      %dma_wait3A_395 = tpu.memref_slice %arg5[%dma_wait3A_393, %dma_wait3A_394] : memref<64x8xi32, #tpu.memory_space<vmem>> -> memref<1x8xi32, #tpu.memory_space<vmem>>
      %dma_wait3A_396 = tpu.memref_squeeze %dma_wait3A_395 : memref<1x8xi32, #tpu.memory_space<vmem>> -> memref<8xi32, #tpu.memory_space<vmem>>
      %dma_wait3A_397 = arith.constant 0 : i32
      %dma_wait3A_398 = arith.constant 0 : i32
      %dma_wait3A_399 = tpu.memref_slice %arg3[%dma_wait3A_397, %dma_wait3A_398] : memref<100000x2048xf32, #tpu.memory_space<hbm>> -> memref<100000x2048xf32, #tpu.memory_space<hbm>>
      tpu.wait_indirect_dma semaphore(%arg17 : memref<!tpu.dma_semaphore, #tpu.memory_space<semaphore_mem>>) src(%dma_wait3A_399 : memref<100000x2048xf32, #tpu.memory_space<hbm>>) dst(%arg11 : memref<8x2048xf32, #tpu.memory_space<vmem>>)
      %mul3A_400 = arith.constant 8 : i32
      %mul3A_401 = arith.muli %add3A_392, %mul3A_400 : i32
      %add3A_402 = arith.addi %mul3A_2, %mul3A_401 : i32
      %dma_start3A_403 = arith.constant 0 : i32
      %dma_start3A_404 = tpu.memref_slice %arg4[%add3A_402, %dma_start3A_403] : memref<16384x2048xf32, #tpu.memory_space<hbm>> -> memref<8x2048xf32, #tpu.memory_space<hbm>>
      %dma_start3A_405 = arith.constant 0 : i32
      %dma_start3A_406 = tpu.memref_slice %arg4[%add3A_402, %dma_start3A_405] : memref<16384x2048xf32, #tpu.memory_space<hbm>> -> memref<8x2048xf32, #tpu.memory_space<hbm>>
      tpu.enqueue_dma source(%arg11 : memref<8x2048xf32, #tpu.memory_space<vmem>>) target(%dma_start3A_406 : memref<8x2048xf32, #tpu.memory_space<hbm>>) target_semaphore(%arg23 : memref<!tpu.dma_semaphore, #tpu.memory_space<semaphore_mem>>)
      %dma_wait3A_407 = arith.constant 0 : i32
      %dma_wait3A_408 = tpu.memref_slice %arg4[%mul3A_2, %dma_wait3A_407] : memref<16384x2048xf32, #tpu.memory_space<hbm>> -> memref<8x2048xf32, #tpu.memory_space<hbm>>
      %dma_wait3A_409 = arith.constant 0 : i32
      %dma_wait3A_410 = tpu.memref_slice %arg4[%mul3A_2, %dma_wait3A_409] : memref<16384x2048xf32, #tpu.memory_space<hbm>> -> memref<8x2048xf32, #tpu.memory_space<hbm>>
      tpu.wait_dma2 semaphore(%arg20 : memref<!tpu.dma_semaphore, #tpu.memory_space<semaphore_mem>>) src(%arg8 : memref<8x2048xf32, #tpu.memory_space<vmem>>) dst(%dma_wait3A_410 : memref<8x2048xf32, #tpu.memory_space<hbm>>)
      %add3A_411 = arith.constant 3 : i32
      %add3A_412 = arith.addi %add3A_392, %add3A_411 : i32
      %dma_start3A_413 = arith.constant 0 : i32
      %dma_start3A_414 = tpu.memref_slice %arg5[%add3A_412, %dma_start3A_413] : memref<64x8xi32, #tpu.memory_space<vmem>> -> memref<1x8xi32, #tpu.memory_space<vmem>>
      %dma_start3A_415 = tpu.memref_squeeze %dma_start3A_414 : memref<1x8xi32, #tpu.memory_space<vmem>> -> memref<8xi32, #tpu.memory_space<vmem>>
      %dma_start3A_416 = arith.constant 0 : i32
      %dma_start3A_417 = arith.constant 0 : i32
      %dma_start3A_418 = tpu.memref_slice %arg3[%dma_start3A_416, %dma_start3A_417] : memref<100000x2048xf32, #tpu.memory_space<hbm>> -> memref<100000x2048xf32, #tpu.memory_space<hbm>>
      tpu.enqueue_indirect_dma source(%dma_start3A_418 : memref<100000x2048xf32, #tpu.memory_space<hbm>>) target(%arg8 : memref<8x2048xf32, #tpu.memory_space<vmem>>) offsets(%dma_start3A_415 : memref<8xi32, #tpu.memory_space<vmem>>) semaphore(%arg14 : memref<!tpu.dma_semaphore, #tpu.memory_space<semaphore_mem>>)
    }
    %scan3A_158 = arith.constant 9 : i32
    %dma_wait3A_159 = arith.constant 0 : i32
    %dma_wait3A_160 = arith.constant 0 : i32
    %dma_wait3A_161 = tpu.memref_slice %arg5[%dma_wait3A_159, %dma_wait3A_160] : memref<64x8xi32, #tpu.memory_space<vmem>> -> memref<1x8xi32, #tpu.memory_space<vmem>>
    %dma_wait3A_162 = tpu.memref_squeeze %dma_wait3A_161 : memref<1x8xi32, #tpu.memory_space<vmem>> -> memref<8xi32, #tpu.memory_space<vmem>>
    %dma_wait3A_163 = arith.constant 0 : i32
    %dma_wait3A_164 = arith.constant 0 : i32
    %dma_wait3A_165 = tpu.memref_slice %arg3[%dma_wait3A_163, %dma_wait3A_164] : memref<100000x2048xf32, #tpu.memory_space<hbm>> -> memref<100000x2048xf32, #tpu.memory_space<hbm>>
    tpu.wait_indirect_dma semaphore(%arg12 : memref<!tpu.dma_semaphore, #tpu.memory_space<semaphore_mem>>) src(%dma_wait3A_165 : memref<100000x2048xf32, #tpu.memory_space<hbm>>) dst(%arg6 : memref<8x2048xf32, #tpu.memory_space<vmem>>)
    %add3A_166 = arith.constant 480 : i32
    %add3A_167 = arith.addi %mul3A_2, %add3A_166 : i32
    %dma_start3A_168 = arith.constant 0 : i32
    %dma_start3A_169 = tpu.memref_slice %arg4[%add3A_167, %dma_start3A_168] : memref<16384x2048xf32, #tpu.memory_space<hbm>> -> memref<8x2048xf32, #tpu.memory_space<hbm>>
    %dma_start3A_170 = arith.constant 0 : i32
    %dma_start3A_171 = tpu.memref_slice %arg4[%add3A_167, %dma_start3A_170] : memref<16384x2048xf32, #tpu.memory_space<hbm>> -> memref<8x2048xf32, #tpu.memory_space<hbm>>
    tpu.enqueue_dma source(%arg6 : memref<8x2048xf32, #tpu.memory_space<vmem>>) target(%dma_start3A_171 : memref<8x2048xf32, #tpu.memory_space<hbm>>) target_semaphore(%arg18 : memref<!tpu.dma_semaphore, #tpu.memory_space<semaphore_mem>>)
    %dma_wait3A_172 = arith.constant 0 : i32
    %dma_wait3A_173 = tpu.memref_slice %arg4[%mul3A_2, %dma_wait3A_172] : memref<16384x2048xf32, #tpu.memory_space<hbm>> -> memref<8x2048xf32, #tpu.memory_space<hbm>>
    %dma_wait3A_174 = arith.constant 0 : i32
    %dma_wait3A_175 = tpu.memref_slice %arg4[%mul3A_2, %dma_wait3A_174] : memref<16384x2048xf32, #tpu.memory_space<hbm>> -> memref<8x2048xf32, #tpu.memory_space<hbm>>
    tpu.wait_dma2 semaphore(%arg21 : memref<!tpu.dma_semaphore, #tpu.memory_space<semaphore_mem>>) src(%arg9 : memref<8x2048xf32, #tpu.memory_space<vmem>>) dst(%dma_wait3A_175 : memref<8x2048xf32, #tpu.memory_space<hbm>>)
    %dma_start3A_176 = arith.constant 63 : i32
    %dma_start3A_177 = arith.constant 0 : i32
    %dma_start3A_178 = tpu.memref_slice %arg5[%dma_start3A_176, %dma_start3A_177] : memref<64x8xi32, #tpu.memory_space<vmem>> -> memref<1x8xi32, #tpu.memory_space<vmem>>
    %dma_start3A_179 = tpu.memref_squeeze %dma_start3A_178 : memref<1x8xi32, #tpu.memory_space<vmem>> -> memref<8xi32, #tpu.memory_space<vmem>>
    %dma_start3A_180 = arith.constant 0 : i32
    %dma_start3A_181 = arith.constant 0 : i32
    %dma_start3A_182 = tpu.memref_slice %arg3[%dma_start3A_180, %dma_start3A_181] : memref<100000x2048xf32, #tpu.memory_space<hbm>> -> memref<100000x2048xf32, #tpu.memory_space<hbm>>
    tpu.enqueue_indirect_dma source(%dma_start3A_182 : memref<100000x2048xf32, #tpu.memory_space<hbm>>) target(%arg9 : memref<8x2048xf32, #tpu.memory_space<vmem>>) offsets(%dma_start3A_179 : memref<8xi32, #tpu.memory_space<vmem>>) semaphore(%arg15 : memref<!tpu.dma_semaphore, #tpu.memory_space<semaphore_mem>>)
    %dma_wait3A_183 = arith.constant 0 : i32
    %dma_wait3A_184 = arith.constant 0 : i32
    %dma_wait3A_185 = tpu.memref_slice %arg5[%dma_wait3A_183, %dma_wait3A_184] : memref<64x8xi32, #tpu.memory_space<vmem>> -> memref<1x8xi32, #tpu.memory_space<vmem>>
    %dma_wait3A_186 = tpu.memref_squeeze %dma_wait3A_185 : memref<1x8xi32, #tpu.memory_space<vmem>> -> memref<8xi32, #tpu.memory_space<vmem>>
    %dma_wait3A_187 = arith.constant 0 : i32
    %dma_wait3A_188 = arith.constant 0 : i32
    %dma_wait3A_189 = tpu.memref_slice %arg3[%dma_wait3A_187, %dma_wait3A_188] : memref<100000x2048xf32, #tpu.memory_space<hbm>> -> memref<100000x2048xf32, #tpu.memory_space<hbm>>
    tpu.wait_indirect_dma semaphore(%arg13 : memref<!tpu.dma_semaphore, #tpu.memory_space<semaphore_mem>>) src(%dma_wait3A_189 : memref<100000x2048xf32, #tpu.memory_space<hbm>>) dst(%arg7 : memref<8x2048xf32, #tpu.memory_space<vmem>>)
    %add3A_190 = arith.constant 488 : i32
    %add3A_191 = arith.addi %mul3A_2, %add3A_190 : i32
    %dma_start3A_192 = arith.constant 0 : i32
    %dma_start3A_193 = tpu.memref_slice %arg4[%add3A_191, %dma_start3A_192] : memref<16384x2048xf32, #tpu.memory_space<hbm>> -> memref<8x2048xf32, #tpu.memory_space<hbm>>
    %dma_start3A_194 = arith.constant 0 : i32
    %dma_start3A_195 = tpu.memref_slice %arg4[%add3A_191, %dma_start3A_194] : memref<16384x2048xf32, #tpu.memory_space<hbm>> -> memref<8x2048xf32, #tpu.memory_space<hbm>>
    tpu.enqueue_dma source(%arg7 : memref<8x2048xf32, #tpu.memory_space<vmem>>) target(%dma_start3A_195 : memref<8x2048xf32, #tpu.memory_space<hbm>>) target_semaphore(%arg19 : memref<!tpu.dma_semaphore, #tpu.memory_space<semaphore_mem>>)
    %dma_wait3A_196 = arith.constant 0 : i32
    %dma_wait3A_197 = tpu.memref_slice %arg4[%mul3A_2, %dma_wait3A_196] : memref<16384x2048xf32, #tpu.memory_space<hbm>> -> memref<8x2048xf32, #tpu.memory_space<hbm>>
    %dma_wait3A_198 = arith.constant 0 : i32
    %dma_wait3A_199 = tpu.memref_slice %arg4[%mul3A_2, %dma_wait3A_198] : memref<16384x2048xf32, #tpu.memory_space<hbm>> -> memref<8x2048xf32, #tpu.memory_space<hbm>>
    tpu.wait_dma2 semaphore(%arg22 : memref<!tpu.dma_semaphore, #tpu.memory_space<semaphore_mem>>) src(%arg10 : memref<8x2048xf32, #tpu.memory_space<vmem>>) dst(%dma_wait3A_199 : memref<8x2048xf32, #tpu.memory_space<hbm>>)
    %dma_wait3A_200 = arith.constant 0 : i32
    %dma_wait3A_201 = arith.constant 0 : i32
    %dma_wait3A_202 = tpu.memref_slice %arg5[%dma_wait3A_200, %dma_wait3A_201] : memref<64x8xi32, #tpu.memory_space<vmem>> -> memref<1x8xi32, #tpu.memory_space<vmem>>
    %dma_wait3A_203 = tpu.memref_squeeze %dma_wait3A_202 : memref<1x8xi32, #tpu.memory_space<vmem>> -> memref<8xi32, #tpu.memory_space<vmem>>
    %dma_wait3A_204 = arith.constant 0 : i32
    %dma_wait3A_205 = arith.constant 0 : i32
    %dma_wait3A_206 = tpu.memref_slice %arg3[%dma_wait3A_204, %dma_wait3A_205] : memref<100000x2048xf32, #tpu.memory_space<hbm>> -> memref<100000x2048xf32, #tpu.memory_space<hbm>>
    tpu.wait_indirect_dma semaphore(%arg14 : memref<!tpu.dma_semaphore, #tpu.memory_space<semaphore_mem>>) src(%dma_wait3A_206 : memref<100000x2048xf32, #tpu.memory_space<hbm>>) dst(%arg8 : memref<8x2048xf32, #tpu.memory_space<vmem>>)
    %add3A_207 = arith.constant 496 : i32
    %add3A_208 = arith.addi %mul3A_2, %add3A_207 : i32
    %dma_start3A_209 = arith.constant 0 : i32
    %dma_start3A_210 = tpu.memref_slice %arg4[%add3A_208, %dma_start3A_209] : memref<16384x2048xf32, #tpu.memory_space<hbm>> -> memref<8x2048xf32, #tpu.memory_space<hbm>>
    %dma_start3A_211 = arith.constant 0 : i32
    %dma_start3A_212 = tpu.memref_slice %arg4[%add3A_208, %dma_start3A_211] : memref<16384x2048xf32, #tpu.memory_space<hbm>> -> memref<8x2048xf32, #tpu.memory_space<hbm>>
    tpu.enqueue_dma source(%arg8 : memref<8x2048xf32, #tpu.memory_space<vmem>>) target(%dma_start3A_212 : memref<8x2048xf32, #tpu.memory_space<hbm>>) target_semaphore(%arg20 : memref<!tpu.dma_semaphore, #tpu.memory_space<semaphore_mem>>)
    %dma_wait3A_213 = arith.constant 0 : i32
    %dma_wait3A_214 = tpu.memref_slice %arg4[%mul3A_2, %dma_wait3A_213] : memref<16384x2048xf32, #tpu.memory_space<hbm>> -> memref<8x2048xf32, #tpu.memory_space<hbm>>
    %dma_wait3A_215 = arith.constant 0 : i32
    %dma_wait3A_216 = tpu.memref_slice %arg4[%mul3A_2, %dma_wait3A_215] : memref<16384x2048xf32, #tpu.memory_space<hbm>> -> memref<8x2048xf32, #tpu.memory_space<hbm>>
    tpu.wait_dma2 semaphore(%arg23 : memref<!tpu.dma_semaphore, #tpu.memory_space<semaphore_mem>>) src(%arg11 : memref<8x2048xf32, #tpu.memory_space<vmem>>) dst(%dma_wait3A_216 : memref<8x2048xf32, #tpu.memory_space<hbm>>)
    %dma_wait3A_217 = arith.constant 0 : i32
    %dma_wait3A_218 = arith.constant 0 : i32
    %dma_wait3A_219 = tpu.memref_slice %arg5[%dma_wait3A_217, %dma_wait3A_218] : memref<64x8xi32, #tpu.memory_space<vmem>> -> memref<1x8xi32, #tpu.memory_space<vmem>>
    %dma_wait3A_220 = tpu.memref_squeeze %dma_wait3A_219 : memref<1x8xi32, #tpu.memory_space<vmem>> -> memref<8xi32, #tpu.memory_space<vmem>>
    %dma_wait3A_221 = arith.constant 0 : i32
    %dma_wait3A_222 = arith.constant 0 : i32
    %dma_wait3A_223 = tpu.memref_slice %arg3[%dma_wait3A_221, %dma_wait3A_222] : memref<100000x2048xf32, #tpu.memory_space<hbm>> -> memref<100000x2048xf32, #tpu.memory_space<hbm>>
    tpu.wait_indirect_dma semaphore(%arg15 : memref<!tpu.dma_semaphore, #tpu.memory_space<semaphore_mem>>) src(%dma_wait3A_223 : memref<100000x2048xf32, #tpu.memory_space<hbm>>) dst(%arg9 : memref<8x2048xf32, #tpu.memory_space<vmem>>)
    %add3A_224 = arith.constant 504 : i32
    %add3A_225 = arith.addi %mul3A_2, %add3A_224 : i32
    %dma_start3A_226 = arith.constant 0 : i32
    %dma_start3A_227 = tpu.memref_slice %arg4[%add3A_225, %dma_start3A_226] : memref<16384x2048xf32, #tpu.memory_space<hbm>> -> memref<8x2048xf32, #tpu.memory_space<hbm>>
    %dma_start3A_228 = arith.constant 0 : i32
    %dma_start3A_229 = tpu.memref_slice %arg4[%add3A_225, %dma_start3A_228] : memref<16384x2048xf32, #tpu.memory_space<hbm>> -> memref<8x2048xf32, #tpu.memory_space<hbm>>
    tpu.enqueue_dma source(%arg9 : memref<8x2048xf32, #tpu.memory_space<vmem>>) target(%dma_start3A_229 : memref<8x2048xf32, #tpu.memory_space<hbm>>) target_semaphore(%arg21 : memref<!tpu.dma_semaphore, #tpu.memory_space<semaphore_mem>>)
    %dma_wait3A_230 = arith.constant 0 : i32
    %dma_wait3A_231 = tpu.memref_slice %arg4[%mul3A_2, %dma_wait3A_230] : memref<16384x2048xf32, #tpu.memory_space<hbm>> -> memref<8x2048xf32, #tpu.memory_space<hbm>>
    %dma_wait3A_232 = arith.constant 0 : i32
    %dma_wait3A_233 = tpu.memref_slice %arg4[%mul3A_2, %dma_wait3A_232] : memref<16384x2048xf32, #tpu.memory_space<hbm>> -> memref<8x2048xf32, #tpu.memory_space<hbm>>
    tpu.wait_dma2 semaphore(%arg18 : memref<!tpu.dma_semaphore, #tpu.memory_space<semaphore_mem>>) src(%arg6 : memref<8x2048xf32, #tpu.memory_space<vmem>>) dst(%dma_wait3A_233 : memref<8x2048xf32, #tpu.memory_space<hbm>>)
    %dma_wait3A_234 = arith.constant 0 : i32
    %dma_wait3A_235 = tpu.memref_slice %arg4[%mul3A_2, %dma_wait3A_234] : memref<16384x2048xf32, #tpu.memory_space<hbm>> -> memref<8x2048xf32, #tpu.memory_space<hbm>>
    %dma_wait3A_236 = arith.constant 0 : i32
    %dma_wait3A_237 = tpu.memref_slice %arg4[%mul3A_2, %dma_wait3A_236] : memref<16384x2048xf32, #tpu.memory_space<hbm>> -> memref<8x2048xf32, #tpu.memory_space<hbm>>
    tpu.wait_dma2 semaphore(%arg19 : memref<!tpu.dma_semaphore, #tpu.memory_space<semaphore_mem>>) src(%arg7 : memref<8x2048xf32, #tpu.memory_space<vmem>>) dst(%dma_wait3A_237 : memref<8x2048xf32, #tpu.memory_space<hbm>>)
    %dma_wait3A_238 = arith.constant 0 : i32
    %dma_wait3A_239 = tpu.memref_slice %arg4[%mul3A_2, %dma_wait3A_238] : memref<16384x2048xf32, #tpu.memory_space<hbm>> -> memref<8x2048xf32, #tpu.memory_space<hbm>>
    %dma_wait3A_240 = arith.constant 0 : i32
    %dma_wait3A_241 = tpu.memref_slice %arg4[%mul3A_2, %dma_wait3A_240] : memref<16384x2048xf32, #tpu.memory_space<hbm>> -> memref<8x2048xf32, #tpu.memory_space<hbm>>
    tpu.wait_dma2 semaphore(%arg20 : memref<!tpu.dma_semaphore, #tpu.memory_space<semaphore_mem>>) src(%arg8 : memref<8x2048xf32, #tpu.memory_space<vmem>>) dst(%dma_wait3A_241 : memref<8x2048xf32, #tpu.memory_space<hbm>>)
    %dma_wait3A_242 = arith.constant 0 : i32
    %dma_wait3A_243 = tpu.memref_slice %arg4[%mul3A_2, %dma_wait3A_242] : memref<16384x2048xf32, #tpu.memory_space<hbm>> -> memref<8x2048xf32, #tpu.memory_space<hbm>>
    %dma_wait3A_244 = arith.constant 0 : i32
    %dma_wait3A_245 = tpu.memref_slice %arg4[%mul3A_2, %dma_wait3A_244] : memref<16384x2048xf32, #tpu.memory_space<hbm>> -> memref<8x2048xf32, #tpu.memory_space<hbm>>
    tpu.wait_dma2 semaphore(%arg21 : memref<!tpu.dma_semaphore, #tpu.memory_space<semaphore_mem>>) src(%arg9 : memref<8x2048xf32, #tpu.memory_space<vmem>>) dst(%dma_wait3A_245 : memref<8x2048xf32, #tpu.memory_space<hbm>>)
    return
  }
}

module attributes {stable_mosaic.version = 14 : i64} {
  func.func @body(%arg0: memref<1x128xf32, #tpu.memory_space<vmem>>, %arg1: memref<2x4096x128xf32, #tpu.memory_space<vmem>>) attributes {dimension_semantics = [], scalar_prefetch = 0 : i64, scratch_operands = 0 : i64, tpu.core_type = #tpu.core_type<tc>} {
    %iota3A = tpu.iota {dimensions = array<i32: 0>} : vector<4096x128xi32>
    %convert_element_type3A = arith.sitofp %iota3A : vector<4096x128xi32> to vector<4096x128xf32>
    %get3A = arith.constant 0 : index
    %get3A_0 = arith.constant 0 : index
    %get3A_1 = vector.load %arg0[%get3A, %get3A_0] : memref<1x128xf32, #tpu.memory_space<vmem>>, vector<1x128xf32>
    %get3A_2 = vector.shape_cast %get3A_1 : vector<1x128xf32> to vector<128xf32>
    %broadcast_in_dim3A = vector.shape_cast %get3A_2 : vector<128xf32> to vector<1x128xf32>
    %mul3A = vector.broadcast %broadcast_in_dim3A : vector<1x128xf32> to vector<4096x128xf32>
    %mul3A_3 = arith.mulf %convert_element_type3A, %mul3A : vector<4096x128xf32>
    %cos3A = math.cos %mul3A_3 : vector<4096x128xf32>
    %swap3A = arith.constant 0 : index
    %swap3A_4 = arith.constant 0 : index
    %swap3A_5 = arith.constant 0 : index
    %swap3A_6 = vector.load %arg1[%swap3A, %swap3A_4, %swap3A_5] : memref<2x4096x128xf32, #tpu.memory_space<vmem>>, vector<1x4096x128xf32>
    %swap3A_7 = vector.shape_cast %swap3A_6 : vector<1x4096x128xf32> to vector<4096x128xf32>
    %swap3A_8 = vector.shape_cast %cos3A : vector<4096x128xf32> to vector<1x4096x128xf32>
    tpu.vector_store %arg1[%swap3A, %swap3A_4, %swap3A_5], %swap3A_8 {strides = array<i32>} : memref<2x4096x128xf32, #tpu.memory_space<vmem>>, vector<1x4096x128xf32>,
    %sin3A = math.sin %mul3A_3 : vector<4096x128xf32>
    %swap3A_9 = arith.constant 1 : index
    %swap3A_10 = arith.constant 0 : index
    %swap3A_11 = arith.constant 0 : index
    %swap3A_12 = vector.load %arg1[%swap3A_9, %swap3A_10, %swap3A_11] : memref<2x4096x128xf32, #tpu.memory_space<vmem>>, vector<1x4096x128xf32>
    %swap3A_13 = vector.shape_cast %swap3A_12 : vector<1x4096x128xf32> to vector<4096x128xf32>
    %swap3A_14 = vector.shape_cast %sin3A : vector<4096x128xf32> to vector<1x4096x128xf32>
    tpu.vector_store %arg1[%swap3A_9, %swap3A_10, %swap3A_11], %swap3A_14 {strides = array<i32>} : memref<2x4096x128xf32, #tpu.memory_space<vmem>>, vector<1x4096x128xf32>,
    return
  }
}

</mosaic_0001>

<sc_bundles>
// kernel: kernel.4.cloned.1.call-start
scs
__scs_entry_jumppad:
0x0: {  	(pc) =	sbr.rel $0x88, $3  }
0x1: {  	(tag) =	ssettag $0x0;
	lr =	simm.s32 $0x1  }
0x2: {  	[smem:$0x3F9E] =	sst lr;
	_ =	strace $0xD0000000  }
0x3: {  	_ = 	snop  }
0x4: {  	_ = 	snop  }
0x5: {  	_ = 	snop  }
0x6: {  	_ = 	snop  }
0x7: {  	_ = 	snop  }
__scs_overlays_trampoline_lowered:
0x8: {  	[smem:$0x3FAD] =	sst s0  }
0x9: {  	[smem:$0x3FAE] =	sst s1  }
0xa: {  	[smem:$0x3FAF] =	sst s2  }
0xb: {  	[smem:$0x3FB0] =	sst s3  }
0xc: {  	[smem:$0x3FB1] =	sst s4  }
0xd: {  	[smem:$0x3FB2] =	sst s5  }
0xe: {  	[smem:$0x3FB3] =	sst s6  }
0xf: {  	[smem:$0x3FB4] =	sst s7  }
0x10: {  	[smem:$0x3FB5] =	sst s8  }
0x11: {  	[smem:$0x3FB6] =	sst s9;
	s0 =	simm.s32 @!p0 $0x0  }
0x12: {  	s1 =	sld [smem:$0x3F9C];
	s0 =	simm.s32 @p0 $0x1  }
0x13: {  	[smem:$0x3FB7] =	sst s0;
	s0 =	simm.s32 @!p1 $0x0  }
0x14: {  	s2 =	sld [smem:$0x3F9B];
	s0 =	simm.s32 @p1 $0x1  }
0x15: {  	[smem:$0x3FB8] =	sst s0;
	s0 =	simm.s32 @!p2 $0x0  }
0x16: {  	s3 =	sld [smem:$0x3FDB];
	s0 =	simm.s32 @p2 $0x1  }
0x17: {  	s4 =	simm.s32 $0x1BF5;
	[smem:$0x3FBA] =	sst s0  }
0x18: {  	s0 =	sld [smem:$0x3F9D];
	_ =	swait.ge [sflag:s4], $0x0  }
0x19: {  	s7 =	sld [smem:$0x3F9E]  }
0x1a: {  	s8 =	sadd.s32 $0xFFFFE003, lr  }
0x1b: {  	s9 =	sadd.s32 $0xFFFFFEF7, lr;
	s5 =	simm.s32 $0xFFFFFFFF;
	p2 =	slt.u32 s8, $0xFFFFF086  }
0x1c: {  	p1 =	slt.u32 s9, $0xF7A;
	s5 =	simm.s32 @!p2 $0x0  }
0x1d: {  	s5 =	simm.s32 @p1 $0x1;
	p0 =	seq.s32 s7, s2  }
0x1e: {  	s7 =	smul.u32 @!p0 $0xF7A, s2;
	p2 =	seq.s32 @!p0 s5, $0x0  }
0x1f: {  	s9 =	smul.u32 $0xF7A, s1;
	s8 =	simm.s32 @!p0 $0x1BF5;
	p2 =	por !p2, p0  }
0x20: {  	[sflag:s8] =	ssyncset.s32 @!p0 $0xFFFFF086;
	s6 =	sadd.s32 @!p0 s3, s7;
	s7 =	simm.s32 @!p0 $0x108  }
0x21: {  	s3 =	sadd.s32 s3, s9;
	s6 =	sadd.s32 @!p0 $0x88, s6;
	s7 =	simm.s32 @p2 $0x1082  }
0x22: {  	[simem:s7], [sflag:s8] =	dma.local @!p0 [hbm:s6], $0xF7A  }
0x23: {  	s9 =	sor.u32 $0xD0000000, s2;
	s6 =	simm.s32 $0x108;
	_ =	swait.ge @!p0 [sflag:s8], $0x0  }
0x24: {  	s3 =	sadd.s32 $0x88, s3;
	s6 =	simm.s32 @!p1 $0x1082;
	[sflag:s4] =	ssyncset.s32 $0xFFFFF086  }
0x25: {  	[simem:s6], [sflag:s4] =	dma.local [hbm:s3], $0xF7A  }
0x26: {  	[smem:$0x3F9E] =	sst s1;
	(tag) =	ssettag s2;
	_ =	strace s9  }
0x27: {  	s1 =	sld [smem:$0x3FAE]  }
0x28: {  	s2 =	sld [smem:$0x3FAF]  }
0x29: {  	s4 =	sld [smem:$0x3FB1]  }
0x2a: {  	p0 =	seq.s32 s5, $0x0;
	s5 =	sld [smem:$0x3FB2]  }
0x2b: {  	s6 =	sld [smem:$0x3FB3]  }
0x2c: {  	s7 =	sld [smem:$0x3FB4]  }
0x2d: {  	s3 =	simm.s32 $0x108;
	s8 =	sld [smem:$0x3FB5]  }
0x2e: {  	s3 =	simm.s32 @!p0 $0x1082;
	s9 =	sld [smem:$0x3FB6]  }
0x2f: {  	lr =	sadd.s32 s0, s3;
	s0 =	sld [smem:$0x3FAD]  }
0x30: {  	s3 =	sld [smem:$0x3FB0]  }
0x31: {  	[smem:$0x3FB9] =	sst s10  }
0x32: {  	s10 =	sld [smem:$0x3FB7];
	_ =	sdelay $0x3  }
0x33: {  	p0 =	seq.s32 s10, $0x1;
	s10 =	sld [smem:$0x3FB9];
	_ =	sdelay $0x3  }
0x34: {  	[smem:$0x3FB9] =	sst s10  }
0x35: {  	s10 =	sld [smem:$0x3FB8];
	_ =	sdelay $0x3  }
0x36: {  	p1 =	seq.s32 s10, $0x1;
	s10 =	sld [smem:$0x3FB9];
	_ =	sdelay $0x3  }
0x37: {  	[smem:$0x3FB9] =	sst s10  }
0x38: {  	s10 =	sld [smem:$0x3FBA]  }
0x39: {  	_ = 	snop;
	(pc) =	sbr.ind lr, $3  }
0x3a: {  	_ = 	snop  }
0x3b: {  	_ = 	snop  }
0x3c: {  	p2 =	seq.s32 s10, $0x1;
	s10 =	sld [smem:$0x3FB9]  }
0x3d: {  	_ =	shalt  }
0x3e: {  	_ =	shalt  }
0x3f: {  	_ =	shalt  }
0x40: {  	_ =	shalt  }
0x41: {  	_ =	shalt  }
0x42: {  	_ =	shalt  }
0x43: {  	_ =	shalt  }
0x44: {  	_ =	shalt  }
0x45: {  	_ =	shalt  }
0x46: {  	_ =	shalt  }
0x47: {  	_ =	shalt  }
0x48: {  	_ =	shalt  }
0x49: {  	_ =	shalt  }
0x4a: {  	_ =	shalt  }
0x4b: {  	_ =	shalt  }
0x4c: {  	_ =	shalt  }
0x4d: {  	_ =	shalt  }
0x4e: {  	_ =	shalt  }
0x4f: {  	_ =	shalt  }
0x50: {  	_ =	shalt  }
0x51: {  	_ =	shalt  }
0x52: {  	_ =	shalt  }
0x53: {  	_ =	shalt  }
0x54: {  	_ =	shalt  }
0x55: {  	_ =	shalt  }
0x56: {  	_ =	shalt  }
0x57: {  	_ =	shalt  }
0x58: {  	_ =	shalt  }
0x59: {  	_ =	shalt  }
0x5a: {  	_ =	shalt  }
0x5b: {  	_ =	shalt  }
0x5c: {  	_ =	shalt  }
0x5d: {  	_ =	shalt  }
0x5e: {  	_ =	shalt  }
0x5f: {  	_ =	shalt  }
0x60: {  	_ =	shalt  }
0x61: {  	_ =	shalt  }
0x62: {  	_ =	shalt  }
0x63: {  	_ =	shalt  }
0x64: {  	_ =	shalt  }
0x65: {  	_ =	shalt  }
0x66: {  	_ =	shalt  }
0x67: {  	_ =	shalt  }
0x68: {  	_ =	shalt  }
0x69: {  	_ =	shalt  }
0x6a: {  	_ =	shalt  }
0x6b: {  	_ =	shalt  }
0x6c: {  	_ =	shalt  }
0x6d: {  	_ =	shalt  }
0x6e: {  	_ =	shalt  }
0x6f: {  	_ =	shalt  }
0x70: {  	_ =	shalt  }
0x71: {  	_ =	shalt  }
0x72: {  	_ =	shalt  }
0x73: {  	_ =	shalt  }
0x74: {  	_ =	shalt  }
0x75: {  	_ =	shalt  }
0x76: {  	_ =	shalt  }
0x77: {  	_ =	shalt  }
0x78: {  	_ =	shalt  }
0x79: {  	_ =	shalt  }
0x7a: {  	_ =	shalt  }
0x7b: {  	_ =	shalt  }
0x7c: {  	_ =	shalt  }
0x7d: {  	_ =	shalt  }
0x7e: {  	_ =	shalt  }
0x7f: {  	_ =	shalt  }
0x80: {  	_ =	shalt  }
0x81: {  	_ =	shalt  }
0x82: {  	_ =	shalt  }
0x83: {  	_ =	shalt  }
0x84: {  	_ =	shalt  }
0x85: {  	_ =	shalt  }
0x86: {  	_ =	shalt  }
0x87: {  	_ =	shalt  }
.Lfunc_end0:
.L_simem_size_0:
called_computation_lowered:
.L_overlay_start_0:
0x88: {  	s2 =	sld [smem:$0x3FD9]  }
0x89: {  	s3 =	sld [smem:$0x3FFE];
	_ =	sdelay $0x1  }
0x8a: {  	s1 =	srdreg.scid  }
0x8b: {  	s0 =	sand.u32 $0x1, s1  }
0x8c: {  	s14 =	sshll.u32 s0, $0xA;
	s2 =	sadd.s32 s3, s2  }
0x8d: {  	s2 =	sadd.s32 s2, s14  }
0x8e: {  	[smem:$0x3FC5] =	sst s2  }
0x8f: {  	_ = 	snop  }
0x90: {  	s2 =	sld [smem:$0x3FD0];
	_ =	sdelay $0x2  }
0x91: {  	s4 =	simm.s32 $0xA;
	s5 =	simm.s32 $0x10;
	s15 =	sld [smem:$0x3FC7]  }
0x92: {  	[smem:s5], [sflag:s4] =	dma.local [hbm:s2], $0x1  }
0x93: {  	_ =	swait.eq [sflag:s4], $0x1  }
0x94: {  	[sflag:s4] =	ssyncset.done $0x0  }
0x95: {  	[sflag:s4] =	ssyncadd.s32 $0xFFFFFFFF  }
0x96: {  	s16 =	sld [smem:$0x10];
	(tm) =	ssettm $0x1  }
0x97: {  	s17 =	sld [smem:$0x3FFB];
	_ =	sdelay $0x3  }
0x98: {  	_ =	strace s17  }
0x99: {  	s4 =	sld [smem:$0x3FFC];
	_ =	sdelay $0x3  }
0x9a: {  	_ =	strace s4  }
0x9b: {  	s4 =	sld [smem:$0x3FFD];
	_ =	sdelay $0x3  }
0x9c: {  	_ =	strace s4  }
0x9d: {  	_ =	strace $0x8FFFFFFF  }
0x9e: {  	s18 =	sld [smem:$0x3FDB];
	_ =	sdelay $0x1  }
0x9f: {  	s19 =	simm.s32 $_scs_section_size  }
0xa0: {  	s6 =	simm.s32 $_size__tile_overlayer_lowered;
	s7 =	simm.s32 $_tile_overlayer_lowered  }
0xa1: {  	s22 =	simm.s32 $0x1BFF;
	s21 =	sshll.u32 s7, $0x1;
	s4 =	sadd.s32 s19, s18  }
0xa2: {  	s8 =	simm.s32 $0x0;
	s20 =	sshll.u32 s6, $0x1;
	s6 =	sadd.s32 s21, s4  }
0xa3: {  	[timem:s8], [sflag:s22] =	dma.local [hbm:s6], s20  }
0xa4: {  	_ =	swait.ge [sflag:s22], s20  }
0xa5: {  	s5 =	ssub.s32 $0x0, s20;
	[sflag:s22] =	ssyncset.done $0x0  }
0xa6: {  	[sflag:s22] =	ssyncadd.s32 s5;
	_ =	sdelay $0x1  }
0xa7: {  	s23 =	simm.s32 $0x1B8B  }
0xa8: {  	_ =	swait.ge [sflag:s23], $0x1  }
0xa9: {  	[sflag:s23] =	ssyncset.done $0x0  }
0xaa: {  	s25 =	simm.s32 $0x1B8E;
	s24 =	sld [smem:$0x3FFE];
	[sflag:s23] =	ssyncadd.s32 $0xFFFFFFFF  }
0xab: {  	s26 =	simm.s32 $execute0_lowered;
	[smem:$0x3FD2] =	sst s25  }
0xac: {  	s6 =	sshll.u32 s26, $0x1;
	_ =	strace $0x80000046;
	[dreg:$0x1] =	wrdreg $0xFFFFFFFF  }
0xad: {  	s28 =	simm.s32 $_size_execute0_lowered;
	s4 =	sadd.s32 s4, s6;
	[dreg:$0x0] =	wrdreg $0x0  }
0xae: {  	s6 =	sshll.u32 s28, $0x1;
	[dreg:$0x2] =	wrdreg s4  }
0xaf: {  	[dreg:$0x3] =	wrdreg s6  }
0xb0: {  	[dreg:$0x4] =	wrdreg $0xC0  }
0xb1: {  	_ =	task [dreg:s8], $0x5FFFF  }
0xb2: {  	[dreg:$0x1] =	wrdreg $0xFFFFFFFF  }
0xb3: {  	[dreg:$0x0] =	wrdreg $0x60  }
0xb4: {  	[dreg:$0x2] =	wrdreg s24  }
0xb5: {  	[dreg:$0x3] =	wrdreg s15  }
0xb6: {  	[dreg:$0x4] =	wrdreg s16  }
0xb7: {  	[dreg:$0x5] =	wrdreg $0x9  }
0xb8: {  	_ =	task.clear_ibuf [dreg:s8], $0x6FFFF;
	_ =	strace $0x90000046  }
0xb9: {  	s29 =	simm.s32 $0x9;
	_ =	strace $0x80000048  }
0xba: {  	_ =	swait.ge [sflag:s29], $0x1  }
0xbb: {  	[sflag:s29] =	ssyncadd.s32 $0xFFFFFFFF  }
0xbc: {  	_ =	strace $0x90000048  }
0xbd: {  	_ =	sfence  }
0xbe: {  	s30 =	sld [smem:$0x0];
	_ =	sdelay $0x2  }
0xbf: {  	s31 =	sshll.u32 s1, $0xD;
	s1 =	sshrl.u32 s1, $0x2  }
0xc0: {  	s3 =	sand.u32 $0x4000, s31;
	s1 =	sadd.s32 s1, s30  }
0xc1: {  	s0 =	sor.u32 s3, s0;
	s1 =	sshll.u32 s1, $0x11  }
0xc2: {  	s0 =	sor.u32 s1, s0  }
0xc3: {  	s0 =	sadd.s32 $0x8F2B, s0  }
0xc4: {  	[sflag:s0] =	ssyncadd.remote.s32 $0x1  }
0xc5: {  	_ =	sfence.sel $0xFFFF  }
0xc6: {  	[dreg:$0x0] =	wrdreg $0xFFFFFFFF;
	(pc) =	sbr.abs _section_cstart, $3  }
0xc7: {  	[dreg:$0x1] =	wrdreg $0xFFFFFFFF  }
0xc8: {  	_ =	task.clear_ibuf [dreg:s8], $0x2FFFF;
	_ =	strace $0x9FFFFFFF  }
0xc9: {  	(tm) =	ssettm $0x7FFFFFFF  }
tec
execute0_lowered:
.L_overlay_start_1:
0x0: {  	(tag) =	ssettag $0x1  }
0x1: {  	s0 =	rddreg [dreg:$0x0]  }
0x2: {  	s2 =	rddreg [dreg:$0x1]  }
0x3: {  	s1 =	rddreg [dreg:$0x2]  }
0x4: {  	s3 =	srdreg.scid;
	s13 =	stileid.u32;
	s31 =	simm.s32 $0x4800  }
0x5: {  	s30 =	simm.s32 $0x5800;
	s15 =	simm.s32 $0xA;
	s4 =	sand.u32 $0x1, s3  }
0x6: {  	s5 =	sshll.u32 s13, $0x1;
	s3 =	simm.s32 $0x0;
	s8 =	sadd.s32 $0x400, s2  }
0x7: {  	s10 =	sadd.s32 $0x600, s2;
	s12 =	sadd.s32 $0x700, s2;
	s24 =	sshll.u32 s13, $0x12  }
0x8: {  	s13 =	simm.s32 $0x8;
	s9 =	sor.u32 s4, s5;
	s16 =	ssub.s32 $0x2, s4  }
0x9: {  	[smem:$0x7FF] =	sst s3;
	s6 =	sshll.u32 s9, $0xA;
	s17 =	sshll.u32 s9, $0x11  }
0xa: {  	s5 =	sadd.s32 $0x100, s2;
	s0 =	sadd.s32 s6, s0;
	s14 =	sadd.s32 s1, s17  }
0xb: {  	_ =	strace $0x80000047;
	s0 =	sadd.s32 $0x600, s0;
	[dreg:$0x6] =	wrdreg s14  }
0xc: {  	s26 =	sshll.u32 s4, $0x11;
	s18 =	sadd.s32 $0x1000, s14;
	[dreg:$0x5] =	wrdreg s0  }
0xd: {  	s4 =	simm.s32 $0x5;
	s19 =	sadd.s32 $0x1800, s14;
	[dreg:$0x8] =	wrdreg s18  }
0xe: {  	s7 =	sshrl.u32 s16, $0x1;
	s20 =	sadd.s32 $0x2000, s14;
	[dreg:$0x9] =	wrdreg s19  }
0xf: {  	s9 =	sadd.s32 $0x500, s2;
	s21 =	sadd.s32 $0x2800, s14;
	[dreg:$0xa] =	wrdreg s20  }
0x10: {  	s11 =	ssub.s32 s16, s7;
	s22 =	sadd.s32 $0x1E000, s14;
	[dreg:$0xb] =	wrdreg s21  }
0x11: {  	s6 =	sadd.s32 $0x200, s2;
	s23 =	sadd.s32 $0x1E800, s14;
	[dreg:$0xc] =	wrdreg s22  }
0x12: {  	s7 =	sadd.s32 $0x300, s2;
	s25 =	sadd.s32 $0x1F000, s14;
	[dreg:$0xd] =	wrdreg s23  }
0x13: {  	s17 =	simm.s32 $0x4000;
	s28 =	sadd.s32 $0x1F800, s14;
	[dreg:$0xe] =	wrdreg s25  }
0x14: {  	s16 =	simm.s32 $0x2;
	s29 =	smax.u32 s11, $0x1;
	[dreg:$0xf] =	wrdreg s28  }
0x15: {  	s0 =	sadd.s32 $0x800, s14;
	[dreg:$0x10] =	wrdreg s29;
	s23 =	simm.s32 $0x2800  }
0x16: {  	s19 =	simm.s32 $0x3800;
	s20 =	simm.s32 $0x5000;
	s25 =	simm.s32 $0x3  }
0x17: {  	s18 =	simm.s32 $0x7;
	s14 =	simm.s32 $0x6;
	s21 =	simm.s32 $0xB  }
0x18: {  	v0 =	vlaneseq.u32;
	s22 =	simm.s32 $0xC;
	[dreg:$0x7] =	wrdreg s0;
	s0 =	sadd.s32 s24, s1  }
0x19: {  	v1 =	vshrl.u32 v0, $0x3;
	s1 =	simm.s32 $0x3000;
	s24 =	simm.s32 $0x0;
	s0 =	sadd.s32 s26, s0  }
0x1a: {  	vm0 =	vmmov $0xffff;
	v0 =	vand.u32 $0x7, v0;
	v1 =	vmul.u32 $0x8, v1;
	s26 =	simm.s32 $0x9;
	[dreg:$0x4] =	wrdreg s0;
	s0 =	simm.s32 $0x4  }
.LBB2_1:
0x1b: {  	[dreg:$0x11] =	wrdreg s24  }
0x1c: {  	s11 =	rddreg [dreg:$0x5];
	s24 =	simm.s32 $0xD  }
0x1d: {  	[tilespmem:s3], [sflag:$0xD] =	stream.linear.gather [hbm4b:s11+s3], $0x2000, $0x38;
	[tilespmem:$0x1A000] =	vst v63  }
0x1e: {  	_ =	swait.ge [sflag:s24], $0x2000  }
0x1f: {  	[sflag:s24] =	ssyncset.done $0x0  }
0x20: {  	[sflag:s24] =	ssyncadd.s32 $0xFFFFE000  }
0x21: {  	v2 =	vld.msk [tilespmem:$0x0], $0xff;
	_ =	sdelay $0x4  }
0x22: {  	v3 =	vshll.u32 v2, $0x4  }
0x23: {  	v2 =	vand.u32 $0x7, v2;
	v3 =	vand.u32 $0xFFFFFF80, v3  }
0x24: {  	v2 =	vor.u32 v2, v3  }
0x25: {  	v2 =	vperm.xlane v2, v0;
	_ =	sdelay $0x1  }
0x26: {  	v2 =	vadd.s32 v1, v2;
	_ =	sdelay $0x3  }
0x27: {  	s24 =	simm.s32 $0x2000  }
0x28: {  	[tilespmem:s24], [sflag:$0x1] =	stream.indirect_vreg.gather [hbm4b:s2+s3], $0x80, v2, vm0, $0xb8;
	[tilespmem:$0x1A000] =	vst v63  }
0x29: {  	_ = 	snop  }
0x2a: {  	[tilespmem:s23], [sflag:$0x1] =	stream.indirect_vreg.gather [hbm4b:s5+s3], $0x80, v2, vm0, $0xb8;
	[tilespmem:$0x1A000] =	vst v63  }
0x2b: {  	_ = 	snop  }
0x2c: {  	[tilespmem:s1], [sflag:$0x1] =	stream.indirect_vreg.gather [hbm4b:s6+s3], $0x80, v2, vm0, $0xb8;
	[tilespmem:$0x1A000] =	vst v63  }
0x2d: {  	_ = 	snop  }
0x2e: {  	[tilespmem:s19], [sflag:$0x1] =	stream.indirect_vreg.gather [hbm4b:s7+s3], $0x80, v2, vm0, $0xb8;
	[tilespmem:$0x1A000] =	vst v63  }
0x2f: {  	_ = 	snop  }
0x30: {  	[tilespmem:s17], [sflag:$0x1] =	stream.indirect_vreg.gather [hbm4b:s8+s3], $0x80, v2, vm0, $0xb8;
	[tilespmem:$0x1A000] =	vst v63  }
0x31: {  	_ = 	snop  }
0x32: {  	[tilespmem:s31], [sflag:$0x1] =	stream.indirect_vreg.gather [hbm4b:s9+s3], $0x80, v2, vm0, $0xb8;
	[tilespmem:$0x1A000] =	vst v63  }
0x33: {  	_ = 	snop  }
0x34: {  	[tilespmem:s20], [sflag:$0x1] =	stream.indirect_vreg.gather [hbm4b:s10+s3], $0x80, v2, vm0, $0xb8;
	[tilespmem:$0x1A000] =	vst v63  }
0x35: {  	_ = 	snop  }
0x36: {  	[tilespmem:s30], [sflag:$0x1] =	stream.indirect_vreg.gather [hbm4b:s12+s3], $0x80, v2, vm0, $0xb8;
	[tilespmem:$0x1A000] =	vst v63  }
0x37: {  	v2 =	vld.msk [tilespmem:$0x80], $0xff;
	_ =	sdelay $0x4  }
0x38: {  	v3 =	vshll.u32 v2, $0x4  }
0x39: {  	v2 =	vand.u32 $0x7, v2;
	v3 =	vand.u32 $0xFFFFFF80, v3  }
0x3a: {  	v2 =	vor.u32 v2, v3  }
0x3b: {  	v2 =	vperm.xlane v2, v0;
	_ =	sdelay $0x1  }
0x3c: {  	v2 =	vadd.s32 v1, v2;
	_ =	sdelay $0x3  }
0x3d: {  	s11 =	simm.s32 $0x6000  }
0x3e: {  	[tilespmem:s11], [sflag:$0x2] =	stream.indirect_vreg.gather [hbm4b:s2+s3], $0x80, v2, vm0, $0xb8;
	[tilespmem:$0x1A000] =	vst v63  }
0x3f: {  	s11 =	simm.s32 $0x6800  }
0x40: {  	[tilespmem:s11], [sflag:$0x2] =	stream.indirect_vreg.gather [hbm4b:s5+s3], $0x80, v2, vm0, $0xb8;
	[tilespmem:$0x1A000] =	vst v63  }
0x41: {  	s11 =	simm.s32 $0x7000  }
0x42: {  	[tilespmem:s11], [sflag:$0x2] =	stream.indirect_vreg.gather [hbm4b:s6+s3], $0x80, v2, vm0, $0xb8;
	[tilespmem:$0x1A000] =	vst v63  }
0x43: {  	s11 =	simm.s32 $0x7800  }
0x44: {  	[tilespmem:s11], [sflag:$0x2] =	stream.indirect_vreg.gather [hbm4b:s7+s3], $0x80, v2, vm0, $0xb8;
	[tilespmem:$0x1A000] =	vst v63  }
0x45: {  	s11 =	simm.s32 $0x8000  }
0x46: {  	[tilespmem:s11], [sflag:$0x2] =	stream.indirect_vreg.gather [hbm4b:s8+s3], $0x80, v2, vm0, $0xb8;
	[tilespmem:$0x1A000] =	vst v63  }
0x47: {  	s11 =	simm.s32 $0x8800  }
0x48: {  	[tilespmem:s11], [sflag:$0x2] =	stream.indirect_vreg.gather [hbm4b:s9+s3], $0x80, v2, vm0, $0xb8;
	[tilespmem:$0x1A000] =	vst v63  }
0x49: {  	s11 =	simm.s32 $0x9000  }
0x4a: {  	[tilespmem:s11], [sflag:$0x2] =	stream.indirect_vreg.gather [hbm4b:s10+s3], $0x80, v2, vm0, $0xb8;
	[tilespmem:$0x1A000] =	vst v63  }
0x4b: {  	s11 =	simm.s32 $0x9800  }
0x4c: {  	[tilespmem:s11], [sflag:$0x2] =	stream.indirect_vreg.gather [hbm4b:s12+s3], $0x80, v2, vm0, $0xb8;
	[tilespmem:$0x1A000] =	vst v63  }
0x4d: {  	v2 =	vld.msk [tilespmem:$0x100], $0xff;
	_ =	sdelay $0x4  }
0x4e: {  	v3 =	vshll.u32 v2, $0x4  }
0x4f: {  	v2 =	vand.u32 $0x7, v2;
	v3 =	vand.u32 $0xFFFFFF80, v3  }
0x50: {  	v2 =	vor.u32 v2, v3  }
0x51: {  	v2 =	vperm.xlane v2, v0;
	_ =	sdelay $0x1  }
0x52: {  	v2 =	vadd.s32 v1, v2;
	_ =	sdelay $0x3  }
0x53: {  	s11 =	simm.s32 $0xA000  }
0x54: {  	[tilespmem:s11], [sflag:$0x3] =	stream.indirect_vreg.gather [hbm4b:s2+s3], $0x80, v2, vm0, $0xb8;
	[tilespmem:$0x1A000] =	vst v63  }
0x55: {  	s11 =	simm.s32 $0xA800  }
0x56: {  	[tilespmem:s11], [sflag:$0x3] =	stream.indirect_vreg.gather [hbm4b:s5+s3], $0x80, v2, vm0, $0xb8;
	[tilespmem:$0x1A000] =	vst v63  }
0x57: {  	s11 =	simm.s32 $0xB000  }
0x58: {  	[tilespmem:s11], [sflag:$0x3] =	stream.indirect_vreg.gather [hbm4b:s6+s3], $0x80, v2, vm0, $0xb8;
	[tilespmem:$0x1A000] =	vst v63  }
0x59: {  	s11 =	simm.s32 $0xB800  }
0x5a: {  	[tilespmem:s11], [sflag:$0x3] =	stream.indirect_vreg.gather [hbm4b:s7+s3], $0x80, v2, vm0, $0xb8;
	[tilespmem:$0x1A000] =	vst v63  }
0x5b: {  	s11 =	simm.s32 $0xC000  }
0x5c: {  	[tilespmem:s11], [sflag:$0x3] =	stream.indirect_vreg.gather [hbm4b:s8+s3], $0x80, v2, vm0, $0xb8;
	[tilespmem:$0x1A000] =	vst v63  }
0x5d: {  	s11 =	simm.s32 $0xC800  }
0x5e: {  	[tilespmem:s11], [sflag:$0x3] =	stream.indirect_vreg.gather [hbm4b:s9+s3], $0x80, v2, vm0, $0xb8;
	[tilespmem:$0x1A000] =	vst v63  }
0x5f: {  	s11 =	simm.s32 $0xD000  }
0x60: {  	[tilespmem:s11], [sflag:$0x3] =	stream.indirect_vreg.gather [hbm4b:s10+s3], $0x80, v2, vm0, $0xb8;
	[tilespmem:$0x1A000] =	vst v63  }
0x61: {  	s11 =	simm.s32 $0xD800  }
0x62: {  	[tilespmem:s11], [sflag:$0x3] =	stream.indirect_vreg.gather [hbm4b:s12+s3], $0x80, v2, vm0, $0xb8;
	[tilespmem:$0x1A000] =	vst v63  }
0x63: {  	s11 =	simm.s32 $0x1  }
0x64: {  	_ =	swait.ge [sflag:s11], $0x4000  }
0x65: {  	[sflag:s11] =	ssyncset.done $0x0  }
0x66: {  	s24 =	simm.s32 $0x2000;
	[sflag:s11] =	ssyncadd.s32 $0xFFFFC000;
	s11 =	rddreg [dreg:$0x6]  }
0x67: {  	[hbm4b:s11+s3] =	stream.linear.scatter [tilespmem:s24], [sflag:$0x7], $0x4000, $0x38;
	[tilespmem:$0x1A000] =	vst v63  }
0x68: {  	v2 =	vld.msk [tilespmem:$0x180], $0xff;
	_ =	sdelay $0x4  }
0x69: {  	v3 =	vshll.u32 v2, $0x4  }
0x6a: {  	v2 =	vand.u32 $0x7, v2;
	v3 =	vand.u32 $0xFFFFFF80, v3  }
0x6b: {  	v2 =	vor.u32 v2, v3  }
0x6c: {  	v2 =	vperm.xlane v2, v0;
	_ =	sdelay $0x1  }
0x6d: {  	v2 =	vadd.s32 v1, v2;
	_ =	sdelay $0x3  }
0x6e: {  	s24 =	simm.s32 $0xE000  }
0x6f: {  	[tilespmem:s24], [sflag:$0x4] =	stream.indirect_vreg.gather [hbm4b:s2+s3], $0x80, v2, vm0, $0xb8;
	[tilespmem:$0x1A000] =	vst v63  }
0x70: {  	s11 =	simm.s32 $0xE800  }
0x71: {  	[tilespmem:s11], [sflag:$0x4] =	stream.indirect_vreg.gather [hbm4b:s5+s3], $0x80, v2, vm0, $0xb8;
	[tilespmem:$0x1A000] =	vst v63  }
0x72: {  	s11 =	simm.s32 $0xF000  }
0x73: {  	[tilespmem:s11], [sflag:$0x4] =	stream.indirect_vreg.gather [hbm4b:s6+s3], $0x80, v2, vm0, $0xb8;
	[tilespmem:$0x1A000] =	vst v63  }
0x74: {  	s11 =	simm.s32 $0xF800  }
0x75: {  	[tilespmem:s11], [sflag:$0x4] =	stream.indirect_vreg.gather [hbm4b:s7+s3], $0x80, v2, vm0, $0xb8;
	[tilespmem:$0x1A000] =	vst v63  }
0x76: {  	s11 =	simm.s32 $0x10000  }
0x77: {  	[tilespmem:s11], [sflag:$0x4] =	stream.indirect_vreg.gather [hbm4b:s8+s3], $0x80, v2, vm0, $0xb8;
	[tilespmem:$0x1A000] =	vst v63  }
0x78: {  	s11 =	simm.s32 $0x10800  }
0x79: {  	[tilespmem:s11], [sflag:$0x4] =	stream.indirect_vreg.gather [hbm4b:s9+s3], $0x80, v2, vm0, $0xb8;
	[tilespmem:$0x1A000] =	vst v63  }
0x7a: {  	s11 =	simm.s32 $0x11000  }
0x7b: {  	[tilespmem:s11], [sflag:$0x4] =	stream.indirect_vreg.gather [hbm4b:s10+s3], $0x80, v2, vm0, $0xb8;
	[tilespmem:$0x1A000] =	vst v63  }
0x7c: {  	s11 =	simm.s32 $0x11800  }
0x7d: {  	[tilespmem:s11], [sflag:$0x4] =	stream.indirect_vreg.gather [hbm4b:s12+s3], $0x80, v2, vm0, $0xb8;
	[tilespmem:$0x1A000] =	vst v63  }
0x7e: {  	_ =	swait.ge [sflag:s16], $0x4000  }
0x7f: {  	[sflag:s16] =	ssyncset.done $0x0  }
0x80: {  	s29 =	simm.s32 $0x6000;
	s11 =	rddreg [dreg:$0x7];
	[sflag:s16] =	ssyncadd.s32 $0xFFFFC000  }
0x81: {  	[hbm4b:s11+s3] =	stream.linear.scatter [tilespmem:s29], [sflag:$0x8], $0x4000, $0x38;
	[tilespmem:$0x1A000] =	vst v63  }
0x82: {  	v2 =	vld.msk [tilespmem:$0x200], $0xff;
	_ =	sdelay $0x4  }
0x83: {  	v3 =	vshll.u32 v2, $0x4  }
0x84: {  	v2 =	vand.u32 $0x7, v2;
	v3 =	vand.u32 $0xFFFFFF80, v3  }
0x85: {  	v2 =	vor.u32 v2, v3  }
0x86: {  	v2 =	vperm.xlane v2, v0;
	_ =	sdelay $0x1  }
0x87: {  	v2 =	vadd.s32 v1, v2;
	_ =	sdelay $0x3  }
0x88: {  	s29 =	simm.s32 $0x12000  }
0x89: {  	[tilespmem:s29], [sflag:$0x5] =	stream.indirect_vreg.gather [hbm4b:s2+s3], $0x80, v2, vm0, $0xb8;
	[tilespmem:$0x1A000] =	vst v63  }
0x8a: {  	s11 =	simm.s32 $0x12800  }
0x8b: {  	[tilespmem:s11], [sflag:$0x5] =	stream.indirect_vreg.gather [hbm4b:s5+s3], $0x80, v2, vm0, $0xb8;
	[tilespmem:$0x1A000] =	vst v63  }
0x8c: {  	s11 =	simm.s32 $0x13000  }
0x8d: {  	[tilespmem:s11], [sflag:$0x5] =	stream.indirect_vreg.gather [hbm4b:s6+s3], $0x80, v2, vm0, $0xb8;
	[tilespmem:$0x1A000] =	vst v63  }
0x8e: {  	s11 =	simm.s32 $0x13800  }
0x8f: {  	[tilespmem:s11], [sflag:$0x5] =	stream.indirect_vreg.gather [hbm4b:s7+s3], $0x80, v2, vm0, $0xb8;
	[tilespmem:$0x1A000] =	vst v63  }
0x90: {  	s11 =	simm.s32 $0x14000  }
0x91: {  	[tilespmem:s11], [sflag:$0x5] =	stream.indirect_vreg.gather [hbm4b:s8+s3], $0x80, v2, vm0, $0xb8;
	[tilespmem:$0x1A000] =	vst v63  }
0x92: {  	s11 =	simm.s32 $0x14800  }
0x93: {  	[tilespmem:s11], [sflag:$0x5] =	stream.indirect_vreg.gather [hbm4b:s9+s3], $0x80, v2, vm0, $0xb8;
	[tilespmem:$0x1A000] =	vst v63  }
0x94: {  	s11 =	simm.s32 $0x15000  }
0x95: {  	[tilespmem:s11], [sflag:$0x5] =	stream.indirect_vreg.gather [hbm4b:s10+s3], $0x80, v2, vm0, $0xb8;
	[tilespmem:$0x1A000] =	vst v63  }
0x96: {  	s11 =	simm.s32 $0x15800  }
0x97: {  	[tilespmem:s11], [sflag:$0x5] =	stream.indirect_vreg.gather [hbm4b:s12+s3], $0x80, v2, vm0, $0xb8;
	[tilespmem:$0x1A000] =	vst v63  }
0x98: {  	_ =	swait.ge [sflag:s25], $0x4000  }
0x99: {  	[sflag:s25] =	ssyncset.done $0x0  }
0x9a: {  	s28 =	simm.s32 $0xA000;
	s11 =	rddreg [dreg:$0x8];
	[sflag:s25] =	ssyncadd.s32 $0xFFFFC000  }
0x9b: {  	[hbm4b:s11+s3] =	stream.linear.scatter [tilespmem:s28], [sflag:$0x9], $0x4000, $0x38;
	[tilespmem:$0x1A000] =	vst v63  }
0x9c: {  	v2 =	vld.msk [tilespmem:$0x280], $0xff;
	_ =	sdelay $0x4  }
0x9d: {  	v3 =	vshll.u32 v2, $0x4  }
0x9e: {  	v2 =	vand.u32 $0x7, v2;
	v3 =	vand.u32 $0xFFFFFF80, v3  }
0x9f: {  	v2 =	vor.u32 v2, v3  }
0xa0: {  	v2 =	vperm.xlane v2, v0;
	_ =	sdelay $0x1  }
0xa1: {  	v2 =	vadd.s32 v1, v2;
	_ =	sdelay $0x3  }
0xa2: {  	s28 =	simm.s32 $0x16000  }
0xa3: {  	[tilespmem:s28], [sflag:$0x6] =	stream.indirect_vreg.gather [hbm4b:s2+s3], $0x80, v2, vm0, $0xb8;
	[tilespmem:$0x1A000] =	vst v63  }
0xa4: {  	s11 =	simm.s32 $0x16800  }
0xa5: {  	[tilespmem:s11], [sflag:$0x6] =	stream.indirect_vreg.gather [hbm4b:s5+s3], $0x80, v2, vm0, $0xb8;
	[tilespmem:$0x1A000] =	vst v63  }
0xa6: {  	s11 =	simm.s32 $0x17000  }
0xa7: {  	[tilespmem:s11], [sflag:$0x6] =	stream.indirect_vreg.gather [hbm4b:s6+s3], $0x80, v2, vm0, $0xb8;
	[tilespmem:$0x1A000] =	vst v63  }
0xa8: {  	s11 =	simm.s32 $0x17800  }
0xa9: {  	[tilespmem:s11], [sflag:$0x6] =	stream.indirect_vreg.gather [hbm4b:s7+s3], $0x80, v2, vm0, $0xb8;
	[tilespmem:$0x1A000] =	vst v63  }
0xaa: {  	s11 =	simm.s32 $0x18000  }
0xab: {  	[tilespmem:s11], [sflag:$0x6] =	stream.indirect_vreg.gather [hbm4b:s8+s3], $0x80, v2, vm0, $0xb8;
	[tilespmem:$0x1A000] =	vst v63  }
0xac: {  	s11 =	simm.s32 $0x18800  }
0xad: {  	[tilespmem:s11], [sflag:$0x6] =	stream.indirect_vreg.gather [hbm4b:s9+s3], $0x80, v2, vm0, $0xb8;
	[tilespmem:$0x1A000] =	vst v63  }
0xae: {  	s11 =	simm.s32 $0x19000  }
0xaf: {  	[tilespmem:s11], [sflag:$0x6] =	stream.indirect_vreg.gather [hbm4b:s10+s3], $0x80, v2, vm0, $0xb8;
	[tilespmem:$0x1A000] =	vst v63  }
0xb0: {  	s11 =	simm.s32 $0x19800  }
0xb1: {  	[tilespmem:s11], [sflag:$0x6] =	stream.indirect_vreg.gather [hbm4b:s12+s3], $0x80, v2, vm0, $0xb8;
	[tilespmem:$0x1A000] =	vst v63  }
0xb2: {  	_ =	swait.ge [sflag:s0], $0x4000  }
0xb3: {  	[sflag:s0] =	ssyncset.done $0x0  }
0xb4: {  	s11 =	rddreg [dreg:$0x9];
	[sflag:s0] =	ssyncadd.s32 $0xFFFFC000  }
0xb5: {  	[hbm4b:s11+s3] =	stream.linear.scatter [tilespmem:s24], [sflag:$0xA], $0x4000, $0x38;
	[tilespmem:$0x1A000] =	vst v63  }
0xb6: {  	_ =	swait.ge [sflag:s18], $0x4000  }
0xb7: {  	[sflag:s18] =	ssyncset.done $0x0  }
0xb8: {  	[sflag:s18] =	ssyncadd.s32 $0xFFFFC000  }
0xb9: {  	v2 =	vld.msk [tilespmem:$0x300], $0xff;
	_ =	sdelay $0x4  }
0xba: {  	v3 =	vshll.u32 v2, $0x4  }
0xbb: {  	v2 =	vand.u32 $0x7, v2;
	v3 =	vand.u32 $0xFFFFFF80, v3  }
0xbc: {  	v2 =	vor.u32 v2, v3  }
0xbd: {  	v2 =	vperm.xlane v2, v0;
	_ =	sdelay $0x1  }
0xbe: {  	v2 =	vadd.s32 v1, v2;
	_ =	sdelay $0x3  }
0xbf: {  	s24 =	simm.s32 $0x2000  }
0xc0: {  	[tilespmem:s24], [sflag:$0x1] =	stream.indirect_vreg.gather [hbm4b:s2+s3], $0x80, v2, vm0, $0xb8;
	[tilespmem:$0x1A000] =	vst v63  }
0xc1: {  	_ = 	snop  }
0xc2: {  	[tilespmem:s23], [sflag:$0x1] =	stream.indirect_vreg.gather [hbm4b:s5+s3], $0x80, v2, vm0, $0xb8;
	[tilespmem:$0x1A000] =	vst v63  }
0xc3: {  	_ = 	snop  }
0xc4: {  	[tilespmem:s1], [sflag:$0x1] =	stream.indirect_vreg.gather [hbm4b:s6+s3], $0x80, v2, vm0, $0xb8;
	[tilespmem:$0x1A000] =	vst v63  }
0xc5: {  	_ = 	snop  }
0xc6: {  	[tilespmem:s19], [sflag:$0x1] =	stream.indirect_vreg.gather [hbm4b:s7+s3], $0x80, v2, vm0, $0xb8;
	[tilespmem:$0x1A000] =	vst v63  }
0xc7: {  	_ = 	snop  }
0xc8: {  	[tilespmem:s17], [sflag:$0x1] =	stream.indirect_vreg.gather [hbm4b:s8+s3], $0x80, v2, vm0, $0xb8;
	[tilespmem:$0x1A000] =	vst v63  }
0xc9: {  	_ = 	snop  }
0xca: {  	[tilespmem:s31], [sflag:$0x1] =	stream.indirect_vreg.gather [hbm4b:s9+s3], $0x80, v2, vm0, $0xb8;
	[tilespmem:$0x1A000] =	vst v63  }
0xcb: {  	_ = 	snop  }
0xcc: {  	[tilespmem:s20], [sflag:$0x1] =	stream.indirect_vreg.gather [hbm4b:s10+s3], $0x80, v2, vm0, $0xb8;
	[tilespmem:$0x1A000] =	vst v63  }
0xcd: {  	_ = 	snop  }
0xce: {  	[tilespmem:s30], [sflag:$0x1] =	stream.indirect_vreg.gather [hbm4b:s12+s3], $0x80, v2, vm0, $0xb8;
	[tilespmem:$0x1A000] =	vst v63  }
0xcf: {  	_ =	swait.ge [sflag:s4], $0x4000  }
0xd0: {  	[sflag:s4] =	ssyncset.done $0x0  }
0xd1: {  	s20 =	rddreg [dreg:$0xa];
	[sflag:s4] =	ssyncadd.s32 $0xFFFFC000  }
0xd2: {  	[hbm4b:s20+s3] =	stream.linear.scatter [tilespmem:s29], [sflag:$0xB], $0x4000, $0x38;
	[tilespmem:$0x1A000] =	vst v63  }
0xd3: {  	_ =	swait.ge [sflag:s13], $0x4000  }
0xd4: {  	[sflag:s13] =	ssyncset.done $0x0  }
0xd5: {  	[sflag:s13] =	ssyncadd.s32 $0xFFFFC000  }
0xd6: {  	v2 =	vld.msk [tilespmem:$0x380], $0xff;
	_ =	sdelay $0x4  }
0xd7: {  	v3 =	vshll.u32 v2, $0x4  }
0xd8: {  	v2 =	vand.u32 $0x7, v2;
	v3 =	vand.u32 $0xFFFFFF80, v3  }
0xd9: {  	v2 =	vor.u32 v2, v3  }
0xda: {  	v2 =	vperm.xlane v2, v0;
	_ =	sdelay $0x1  }
0xdb: {  	v2 =	vadd.s32 v1, v2;
	_ =	sdelay $0x3  }
0xdc: {  	s23 =	simm.s32 $0x6000  }
0xdd: {  	[tilespmem:s23], [sflag:$0x2] =	stream.indirect_vreg.gather [hbm4b:s2+s3], $0x80, v2, vm0, $0xb8;
	[tilespmem:$0x1A000] =	vst v63  }
0xde: {  	s24 =	simm.s32 $0x6800  }
0xdf: {  	[tilespmem:s24], [sflag:$0x2] =	stream.indirect_vreg.gather [hbm4b:s5+s3], $0x80, v2, vm0, $0xb8;
	[tilespmem:$0x1A000] =	vst v63  }
0xe0: {  	s31 =	simm.s32 $0x7000  }
0xe1: {  	[tilespmem:s31], [sflag:$0x2] =	stream.indirect_vreg.gather [hbm4b:s6+s3], $0x80, v2, vm0, $0xb8;
	[tilespmem:$0x1A000] =	vst v63  }
0xe2: {  	s11 =	simm.s32 $0x7800  }
0xe3: {  	[tilespmem:s11], [sflag:$0x2] =	stream.indirect_vreg.gather [hbm4b:s7+s3], $0x80, v2, vm0, $0xb8;
	[tilespmem:$0x1A000] =	vst v63  }
0xe4: {  	s17 =	simm.s32 $0x8000  }
0xe5: {  	[tilespmem:s17], [sflag:$0x2] =	stream.indirect_vreg.gather [hbm4b:s8+s3], $0x80, v2, vm0, $0xb8;
	[tilespmem:$0x1A000] =	vst v63  }
0xe6: {  	s19 =	simm.s32 $0x8800  }
0xe7: {  	[tilespmem:s19], [sflag:$0x2] =	stream.indirect_vreg.gather [hbm4b:s9+s3], $0x80, v2, vm0, $0xb8;
	[tilespmem:$0x1A000] =	vst v63  }
0xe8: {  	s20 =	simm.s32 $0x9000  }
0xe9: {  	[tilespmem:s20], [sflag:$0x2] =	stream.indirect_vreg.gather [hbm4b:s10+s3], $0x80, v2, vm0, $0xb8;
	[tilespmem:$0x1A000] =	vst v63  }
0xea: {  	s23 =	simm.s32 $0x9800  }
0xeb: {  	[tilespmem:s23], [sflag:$0x2] =	stream.indirect_vreg.gather [hbm4b:s12+s3], $0x80, v2, vm0, $0xb8;
	[tilespmem:$0x1A000] =	vst v63  }
0xec: {  	_ =	swait.ge [sflag:s14], $0x4000  }
0xed: {  	[sflag:s14] =	ssyncset.done $0x0  }
0xee: {  	s24 =	rddreg [dreg:$0xb];
	[sflag:s14] =	ssyncadd.s32 $0xFFFFC000  }
0xef: {  	[hbm4b:s24+s3] =	stream.linear.scatter [tilespmem:s28], [sflag:$0xC], $0x4000, $0x38;
	[tilespmem:$0x1A000] =	vst v63  }
0xf0: {  	_ =	swait.ge [sflag:s26], $0x4000  }
0xf1: {  	[sflag:s26] =	ssyncset.done $0x0  }
0xf2: {  	[sflag:s26] =	ssyncadd.s32 $0xFFFFC000  }
0xf3: {  	v2 =	vld.msk [tilespmem:$0x400], $0xff;
	_ =	sdelay $0x4  }
0xf4: {  	v3 =	vshll.u32 v2, $0x4  }
0xf5: {  	v2 =	vand.u32 $0x7, v2;
	v3 =	vand.u32 $0xFFFFFF80, v3  }
0xf6: {  	v2 =	vor.u32 v2, v3  }
0xf7: {  	v2 =	vperm.xlane v2, v0;
	_ =	sdelay $0x1  }
0xf8: {  	v2 =	vadd.s32 v1, v2;
	_ =	sdelay $0x3  }
0xf9: {  	s31 =	simm.s32 $0xA000  }
0xfa: {  	[tilespmem:s31], [sflag:$0x3] =	stream.indirect_vreg.gather [hbm4b:s2+s3], $0x80, v2, vm0, $0xb8;
	[tilespmem:$0x1A000] =	vst v63  }
0xfb: {  	s11 =	simm.s32 $0xA800  }
0xfc: {  	[tilespmem:s11], [sflag:$0x3] =	stream.indirect_vreg.gather [hbm4b:s5+s3], $0x80, v2, vm0, $0xb8;
	[tilespmem:$0x1A000] =	vst v63  }
0xfd: {  	s17 =	simm.s32 $0xB000  }
0xfe: {  	[tilespmem:s17], [sflag:$0x3] =	stream.indirect_vreg.gather [hbm4b:s6+s3], $0x80, v2, vm0, $0xb8;
	[tilespmem:$0x1A000] =	vst v63  }
0xff: {  	s19 =	simm.s32 $0xB800  }
0x100: {  	[tilespmem:s19], [sflag:$0x3] =	stream.indirect_vreg.gather [hbm4b:s7+s3], $0x80, v2, vm0, $0xb8;
	[tilespmem:$0x1A000] =	vst v63  }
0x101: {  	s20 =	simm.s32 $0xC000  }
0x102: {  	[tilespmem:s20], [sflag:$0x3] =	stream.indirect_vreg.gather [hbm4b:s8+s3], $0x80, v2, vm0, $0xb8;
	[tilespmem:$0x1A000] =	vst v63  }
0x103: {  	s23 =	simm.s32 $0xC800  }
0x104: {  	[tilespmem:s23], [sflag:$0x3] =	stream.indirect_vreg.gather [hbm4b:s9+s3], $0x80, v2, vm0, $0xb8;
	[tilespmem:$0x1A000] =	vst v63  }
0x105: {  	s24 =	simm.s32 $0xD000  }
0x106: {  	[tilespmem:s24], [sflag:$0x3] =	stream.indirect_vreg.gather [hbm4b:s10+s3], $0x80, v2, vm0, $0xb8;
	[tilespmem:$0x1A000] =	vst v63  }
0x107: {  	s30 =	simm.s32 $0x0;
	s31 =	simm.s32 $0xD800;
	s11 =	simm.s32 $0x700  }
0x108: {  	[tilespmem:s31], [sflag:$0x3] =	stream.indirect_vreg.gather [hbm4b:s12+s3], $0x80, v2, vm0, $0xb8;
	[tilespmem:$0x1A000] =	vst v63  }
.LBB2_2:
0x109: {  	s1 =	simm.s32 $0x1  }
0x10a: {  	_ =	swait.ge [sflag:s1], $0x4000  }
0x10b: {  	s31 =	rddreg [dreg:$0x4]  }
0x10c: {  	[sflag:s1] =	ssyncset.done $0x0;
	s31 =	sadd.s32 s30, s31  }
0x10d: {  	[sflag:s1] =	ssyncadd.s32 $0xFFFFC000;
	s1 =	simm.s32 $0x2000;
	s23 =	sadd.s32 $0x3000, s31  }
0x10e: {  	[hbm4b:s23+s3] =	stream.linear.scatter [tilespmem:s1], [sflag:$0x7], $0x4000, $0x38;
	[tilespmem:$0x1A000] =	vst v63  }
0x10f: {  	_ =	swait.ge [sflag:s15], $0x4000  }
0x110: {  	[sflag:s15] =	ssyncset.done $0x0  }
0x111: {  	[sflag:s15] =	ssyncadd.s32 $0xFFFFC000  }
0x112: {  	v2 =	vld.msk [tilespmem:s11+$0xFFFFFD80], $0xff;
	_ =	sdelay $0x4  }
0x113: {  	v3 =	vshll.u32 v2, $0x4  }
0x114: {  	v2 =	vand.u32 $0x7, v2;
	v3 =	vand.u32 $0xFFFFFF80, v3  }
0x115: {  	v2 =	vor.u32 v2, v3  }
0x116: {  	v2 =	vperm.xlane v2, v0;
	_ =	sdelay $0x1  }
0x117: {  	v2 =	vadd.s32 v1, v2;
	_ =	sdelay $0x3  }
0x118: {  	s19 =	simm.s32 $0xE000  }
0x119: {  	[tilespmem:s19], [sflag:$0x4] =	stream.indirect_vreg.gather [hbm4b:s2+s3], $0x80, v2, vm0, $0xb8;
	[tilespmem:$0x1A000] =	vst v63  }
0x11a: {  	s17 =	simm.s32 $0xE800  }
0x11b: {  	[tilespmem:s17], [sflag:$0x4] =	stream.indirect_vreg.gather [hbm4b:s5+s3], $0x80, v2, vm0, $0xb8;
	[tilespmem:$0x1A000] =	vst v63  }
0x11c: {  	s20 =	simm.s32 $0xF000  }
0x11d: {  	[tilespmem:s20], [sflag:$0x4] =	stream.indirect_vreg.gather [hbm4b:s6+s3], $0x80, v2, vm0, $0xb8;
	[tilespmem:$0x1A000] =	vst v63  }
0x11e: {  	s23 =	simm.s32 $0xF800  }
0x11f: {  	[tilespmem:s23], [sflag:$0x4] =	stream.indirect_vreg.gather [hbm4b:s7+s3], $0x80, v2, vm0, $0xb8;
	[tilespmem:$0x1A000] =	vst v63  }
0x120: {  	s24 =	simm.s32 $0x10000  }
0x121: {  	[tilespmem:s24], [sflag:$0x4] =	stream.indirect_vreg.gather [hbm4b:s8+s3], $0x80, v2, vm0, $0xb8;
	[tilespmem:$0x1A000] =	vst v63  }
0x122: {  	s20 =	simm.s32 $0x10800  }
0x123: {  	[tilespmem:s20], [sflag:$0x4] =	stream.indirect_vreg.gather [hbm4b:s9+s3], $0x80, v2, vm0, $0xb8;
	[tilespmem:$0x1A000] =	vst v63  }
0x124: {  	s23 =	simm.s32 $0x11000  }
0x125: {  	[tilespmem:s23], [sflag:$0x4] =	stream.indirect_vreg.gather [hbm4b:s10+s3], $0x80, v2, vm0, $0xb8;
	[tilespmem:$0x1A000] =	vst v63  }
0x126: {  	s24 =	simm.s32 $0x11800  }
0x127: {  	[tilespmem:s24], [sflag:$0x4] =	stream.indirect_vreg.gather [hbm4b:s12+s3], $0x80, v2, vm0, $0xb8;
	[tilespmem:$0x1A000] =	vst v63  }
0x128: {  	_ =	swait.ge [sflag:s16], $0x4000  }
0x129: {  	[sflag:s16] =	ssyncset.done $0x0  }
0x12a: {  	s17 =	simm.s32 $0x6000;
	s20 =	sadd.s32 $0x3800, s31;
	[sflag:s16] =	ssyncadd.s32 $0xFFFFC000  }
0x12b: {  	[hbm4b:s20+s3] =	stream.linear.scatter [tilespmem:s17], [sflag:$0x8], $0x4000, $0x38;
	[tilespmem:$0x1A000] =	vst v63  }
0x12c: {  	_ =	swait.ge [sflag:s21], $0x4000  }
0x12d: {  	[sflag:s21] =	ssyncset.done $0x0  }
0x12e: {  	[sflag:s21] =	ssyncadd.s32 $0xFFFFC000  }
0x12f: {  	v2 =	vld.msk [tilespmem:s11+$0xFFFFFE00], $0xff;
	_ =	sdelay $0x4  }
0x130: {  	v3 =	vshll.u32 v2, $0x4  }
0x131: {  	v2 =	vand.u32 $0x7, v2;
	v3 =	vand.u32 $0xFFFFFF80, v3  }
0x132: {  	v2 =	vor.u32 v2, v3  }
0x133: {  	v2 =	vperm.xlane v2, v0;
	_ =	sdelay $0x1  }
0x134: {  	v2 =	vadd.s32 v1, v2;
	_ =	sdelay $0x4  }
0x135: {  	[tilespmem:s29], [sflag:$0x5] =	stream.indirect_vreg.gather [hbm4b:s2+s3], $0x80, v2, vm0, $0xb8;
	[tilespmem:$0x1A000] =	vst v63  }
0x136: {  	s20 =	simm.s32 $0x12800  }
0x137: {  	[tilespmem:s20], [sflag:$0x5] =	stream.indirect_vreg.gather [hbm4b:s5+s3], $0x80, v2, vm0, $0xb8;
	[tilespmem:$0x1A000] =	vst v63  }
0x138: {  	s23 =	simm.s32 $0x13000  }
0x139: {  	[tilespmem:s23], [sflag:$0x5] =	stream.indirect_vreg.gather [hbm4b:s6+s3], $0x80, v2, vm0, $0xb8;
	[tilespmem:$0x1A000] =	vst v63  }
0x13a: {  	s24 =	simm.s32 $0x13800  }
0x13b: {  	[tilespmem:s24], [sflag:$0x5] =	stream.indirect_vreg.gather [hbm4b:s7+s3], $0x80, v2, vm0, $0xb8;
	[tilespmem:$0x1A000] =	vst v63  }
0x13c: {  	s23 =	simm.s32 $0x14000  }
0x13d: {  	[tilespmem:s23], [sflag:$0x5] =	stream.indirect_vreg.gather [hbm4b:s8+s3], $0x80, v2, vm0, $0xb8;
	[tilespmem:$0x1A000] =	vst v63  }
0x13e: {  	s24 =	simm.s32 $0x14800  }
0x13f: {  	[tilespmem:s24], [sflag:$0x5] =	stream.indirect_vreg.gather [hbm4b:s9+s3], $0x80, v2, vm0, $0xb8;
	[tilespmem:$0x1A000] =	vst v63  }
0x140: {  	s23 =	simm.s32 $0x15000  }
0x141: {  	[tilespmem:s23], [sflag:$0x5] =	stream.indirect_vreg.gather [hbm4b:s10+s3], $0x80, v2, vm0, $0xb8;
	[tilespmem:$0x1A000] =	vst v63  }
0x142: {  	s24 =	simm.s32 $0x15800  }
0x143: {  	[tilespmem:s24], [sflag:$0x5] =	stream.indirect_vreg.gather [hbm4b:s12+s3], $0x80, v2, vm0, $0xb8;
	[tilespmem:$0x1A000] =	vst v63  }
0x144: {  	_ =	swait.ge [sflag:s25], $0x4000  }
0x145: {  	[sflag:s25] =	ssyncset.done $0x0  }
0x146: {  	s20 =	sadd.s32 $0x4000, s31;
	s24 =	simm.s32 $0xA000;
	[sflag:s25] =	ssyncadd.s32 $0xFFFFC000  }
0x147: {  	[hbm4b:s20+s3] =	stream.linear.scatter [tilespmem:s24], [sflag:$0x9], $0x4000, $0x38;
	[tilespmem:$0x1A000] =	vst v63  }
0x148: {  	_ =	swait.ge [sflag:s22], $0x4000  }
0x149: {  	[sflag:s22] =	ssyncset.done $0x0  }
0x14a: {  	[sflag:s22] =	ssyncadd.s32 $0xFFFFC000  }
0x14b: {  	v2 =	vld.msk [tilespmem:s11+$0xFFFFFE80], $0xff;
	_ =	sdelay $0x4  }
0x14c: {  	v3 =	vshll.u32 v2, $0x4  }
0x14d: {  	v2 =	vand.u32 $0x7, v2;
	v3 =	vand.u32 $0xFFFFFF80, v3  }
0x14e: {  	v2 =	vor.u32 v2, v3  }
0x14f: {  	v2 =	vperm.xlane v2, v0;
	_ =	sdelay $0x1  }
0x150: {  	v2 =	vadd.s32 v1, v2;
	_ =	sdelay $0x4  }
0x151: {  	[tilespmem:s28], [sflag:$0x6] =	stream.indirect_vreg.gather [hbm4b:s2+s3], $0x80, v2, vm0, $0xb8;
	[tilespmem:$0x1A000] =	vst v63  }
0x152: {  	s23 =	simm.s32 $0x16800  }
0x153: {  	[tilespmem:s23], [sflag:$0x6] =	stream.indirect_vreg.gather [hbm4b:s5+s3], $0x80, v2, vm0, $0xb8;
	[tilespmem:$0x1A000] =	vst v63  }
0x154: {  	s23 =	simm.s32 $0x17000  }
0x155: {  	[tilespmem:s23], [sflag:$0x6] =	stream.indirect_vreg.gather [hbm4b:s6+s3], $0x80, v2, vm0, $0xb8;
	[tilespmem:$0x1A000] =	vst v63  }
0x156: {  	s23 =	simm.s32 $0x17800  }
0x157: {  	[tilespmem:s23], [sflag:$0x6] =	stream.indirect_vreg.gather [hbm4b:s7+s3], $0x80, v2, vm0, $0xb8;
	[tilespmem:$0x1A000] =	vst v63  }
0x158: {  	s23 =	simm.s32 $0x18000  }
0x159: {  	[tilespmem:s23], [sflag:$0x6] =	stream.indirect_vreg.gather [hbm4b:s8+s3], $0x80, v2, vm0, $0xb8;
	[tilespmem:$0x1A000] =	vst v63  }
0x15a: {  	s23 =	simm.s32 $0x18800  }
0x15b: {  	[tilespmem:s23], [sflag:$0x6] =	stream.indirect_vreg.gather [hbm4b:s9+s3], $0x80, v2, vm0, $0xb8;
	[tilespmem:$0x1A000] =	vst v63  }
0x15c: {  	s23 =	simm.s32 $0x19000  }
0x15d: {  	[tilespmem:s23], [sflag:$0x6] =	stream.indirect_vreg.gather [hbm4b:s10+s3], $0x80, v2, vm0, $0xb8;
	[tilespmem:$0x1A000] =	vst v63  }
0x15e: {  	s23 =	simm.s32 $0x19800  }
0x15f: {  	[tilespmem:s23], [sflag:$0x6] =	stream.indirect_vreg.gather [hbm4b:s12+s3], $0x80, v2, vm0, $0xb8;
	[tilespmem:$0x1A000] =	vst v63  }
0x160: {  	_ =	swait.ge [sflag:s0], $0x4000  }
0x161: {  	[sflag:s0] =	ssyncset.done $0x0  }
0x162: {  	s20 =	sadd.s32 $0x4800, s31;
	[sflag:s0] =	ssyncadd.s32 $0xFFFFC000  }
0x163: {  	[hbm4b:s20+s3] =	stream.linear.scatter [tilespmem:s19], [sflag:$0xA], $0x4000, $0x38;
	[tilespmem:$0x1A000] =	vst v63  }
0x164: {  	_ =	swait.ge [sflag:s18], $0x4000  }
0x165: {  	[sflag:s18] =	ssyncset.done $0x0  }
0x166: {  	[sflag:s18] =	ssyncadd.s32 $0xFFFFC000  }
0x167: {  	v2 =	vld.msk [tilespmem:s11+$0xFFFFFF00], $0xff;
	_ =	sdelay $0x4  }
0x168: {  	v3 =	vshll.u32 v2, $0x4  }
0x169: {  	v2 =	vand.u32 $0x7, v2;
	v3 =	vand.u32 $0xFFFFFF80, v3  }
0x16a: {  	v2 =	vor.u32 v2, v3  }
0x16b: {  	v2 =	vperm.xlane v2, v0;
	_ =	sdelay $0x1  }
0x16c: {  	v2 =	vadd.s32 v1, v2;
	_ =	sdelay $0x4  }
0x16d: {  	[tilespmem:s1], [sflag:$0x1] =	stream.indirect_vreg.gather [hbm4b:s2+s3], $0x80, v2, vm0, $0xb8;
	[tilespmem:$0x1A000] =	vst v63  }
0x16e: {  	s23 =	simm.s32 $0x2800  }
0x16f: {  	[tilespmem:s23], [sflag:$0x1] =	stream.indirect_vreg.gather [hbm4b:s5+s3], $0x80, v2, vm0, $0xb8;
	[tilespmem:$0x1A000] =	vst v63  }
0x170: {  	s1 =	simm.s32 $0x3000  }
0x171: {  	[tilespmem:s1], [sflag:$0x1] =	stream.indirect_vreg.gather [hbm4b:s6+s3], $0x80, v2, vm0, $0xb8;
	[tilespmem:$0x1A000] =	vst v63  }
0x172: {  	s23 =	simm.s32 $0x3800  }
0x173: {  	[tilespmem:s23], [sflag:$0x1] =	stream.indirect_vreg.gather [hbm4b:s7+s3], $0x80, v2, vm0, $0xb8;
	[tilespmem:$0x1A000] =	vst v63  }
0x174: {  	s23 =	simm.s32 $0x4000  }
0x175: {  	[tilespmem:s23], [sflag:$0x1] =	stream.indirect_vreg.gather [hbm4b:s8+s3], $0x80, v2, vm0, $0xb8;
	[tilespmem:$0x1A000] =	vst v63  }
0x176: {  	s23 =	simm.s32 $0x4800  }
0x177: {  	[tilespmem:s23], [sflag:$0x1] =	stream.indirect_vreg.gather [hbm4b:s9+s3], $0x80, v2, vm0, $0xb8;
	[tilespmem:$0x1A000] =	vst v63  }
0x178: {  	s23 =	simm.s32 $0x5000  }
0x179: {  	[tilespmem:s23], [sflag:$0x1] =	stream.indirect_vreg.gather [hbm4b:s10+s3], $0x80, v2, vm0, $0xb8;
	[tilespmem:$0x1A000] =	vst v63  }
0x17a: {  	s23 =	simm.s32 $0x5800  }
0x17b: {  	[tilespmem:s23], [sflag:$0x1] =	stream.indirect_vreg.gather [hbm4b:s12+s3], $0x80, v2, vm0, $0xb8;
	[tilespmem:$0x1A000] =	vst v63  }
0x17c: {  	_ =	swait.ge [sflag:s4], $0x4000  }
0x17d: {  	[sflag:s4] =	ssyncset.done $0x0  }
0x17e: {  	s20 =	sadd.s32 $0x5000, s31;
	[sflag:s4] =	ssyncadd.s32 $0xFFFFC000  }
0x17f: {  	[hbm4b:s20+s3] =	stream.linear.scatter [tilespmem:s29], [sflag:$0xB], $0x4000, $0x38;
	[tilespmem:$0x1A000] =	vst v63  }
0x180: {  	_ =	swait.ge [sflag:s13], $0x4000  }
0x181: {  	[sflag:s13] =	ssyncset.done $0x0  }
0x182: {  	[sflag:s13] =	ssyncadd.s32 $0xFFFFC000  }
0x183: {  	v2 =	vld.msk [tilespmem:s11+$0xFFFFFF80], $0xff;
	_ =	sdelay $0x4  }
0x184: {  	v3 =	vshll.u32 v2, $0x4  }
0x185: {  	v2 =	vand.u32 $0x7, v2;
	v3 =	vand.u32 $0xFFFFFF80, v3  }
0x186: {  	v2 =	vor.u32 v2, v3  }
0x187: {  	v2 =	vperm.xlane v2, v0;
	_ =	sdelay $0x1  }
0x188: {  	v2 =	vadd.s32 v1, v2;
	_ =	sdelay $0x4  }
0x189: {  	[tilespmem:s17], [sflag:$0x2] =	stream.indirect_vreg.gather [hbm4b:s2+s3], $0x80, v2, vm0, $0xb8;
	[tilespmem:$0x1A000] =	vst v63  }
0x18a: {  	s23 =	simm.s32 $0x6800  }
0x18b: {  	[tilespmem:s23], [sflag:$0x2] =	stream.indirect_vreg.gather [hbm4b:s5+s3], $0x80, v2, vm0, $0xb8;
	[tilespmem:$0x1A000] =	vst v63  }
0x18c: {  	s23 =	simm.s32 $0x7000  }
0x18d: {  	[tilespmem:s23], [sflag:$0x2] =	stream.indirect_vreg.gather [hbm4b:s6+s3], $0x80, v2, vm0, $0xb8;
	[tilespmem:$0x1A000] =	vst v63  }
0x18e: {  	s23 =	simm.s32 $0x7800  }
0x18f: {  	[tilespmem:s23], [sflag:$0x2] =	stream.indirect_vreg.gather [hbm4b:s7+s3], $0x80, v2, vm0, $0xb8;
	[tilespmem:$0x1A000] =	vst v63  }
0x190: {  	s23 =	simm.s32 $0x8000  }
0x191: {  	[tilespmem:s23], [sflag:$0x2] =	stream.indirect_vreg.gather [hbm4b:s8+s3], $0x80, v2, vm0, $0xb8;
	[tilespmem:$0x1A000] =	vst v63  }
0x192: {  	s23 =	simm.s32 $0x8800  }
0x193: {  	[tilespmem:s23], [sflag:$0x2] =	stream.indirect_vreg.gather [hbm4b:s9+s3], $0x80, v2, vm0, $0xb8;
	[tilespmem:$0x1A000] =	vst v63  }
0x194: {  	s23 =	simm.s32 $0x9000  }
0x195: {  	[tilespmem:s23], [sflag:$0x2] =	stream.indirect_vreg.gather [hbm4b:s10+s3], $0x80, v2, vm0, $0xb8;
	[tilespmem:$0x1A000] =	vst v63  }
0x196: {  	s23 =	simm.s32 $0x9800  }
0x197: {  	[tilespmem:s23], [sflag:$0x2] =	stream.indirect_vreg.gather [hbm4b:s12+s3], $0x80, v2, vm0, $0xb8;
	[tilespmem:$0x1A000] =	vst v63  }
0x198: {  	_ =	swait.ge [sflag:s14], $0x4000  }
0x199: {  	[sflag:s14] =	ssyncset.done $0x0  }
0x19a: {  	s17 =	sadd.s32 $0x5800, s31;
	[sflag:s14] =	ssyncadd.s32 $0xFFFFC000  }
0x19b: {  	[hbm4b:s17+s3] =	stream.linear.scatter [tilespmem:s28], [sflag:$0xC], $0x4000, $0x38;
	[tilespmem:$0x1A000] =	vst v63  }
0x19c: {  	_ =	swait.ge [sflag:s26], $0x4000  }
0x19d: {  	[sflag:s26] =	ssyncset.done $0x0  }
0x19e: {  	[sflag:s26] =	ssyncadd.s32 $0xFFFFC000  }
0x19f: {  	v2 =	vld.msk [tilespmem:s11+$0x0], $0xff;
	_ =	sdelay $0x4  }
0x1a0: {  	v3 =	vshll.u32 v2, $0x4  }
0x1a1: {  	v2 =	vand.u32 $0x7, v2;
	v3 =	vand.u32 $0xFFFFFF80, v3  }
0x1a2: {  	v2 =	vor.u32 v2, v3  }
0x1a3: {  	v2 =	vperm.xlane v2, v0;
	_ =	sdelay $0x1  }
0x1a4: {  	v2 =	vadd.s32 v1, v2;
	_ =	sdelay $0x4  }
0x1a5: {  	[tilespmem:s24], [sflag:$0x3] =	stream.indirect_vreg.gather [hbm4b:s2+s3], $0x80, v2, vm0, $0xb8;
	[tilespmem:$0x1A000] =	vst v63  }
0x1a6: {  	s31 =	simm.s32 $0xA800  }
0x1a7: {  	[tilespmem:s31], [sflag:$0x3] =	stream.indirect_vreg.gather [hbm4b:s5+s3], $0x80, v2, vm0, $0xb8;
	[tilespmem:$0x1A000] =	vst v63  }
0x1a8: {  	s24 =	simm.s32 $0xB000  }
0x1a9: {  	[tilespmem:s24], [sflag:$0x3] =	stream.indirect_vreg.gather [hbm4b:s6+s3], $0x80, v2, vm0, $0xb8;
	[tilespmem:$0x1A000] =	vst v63  }
0x1aa: {  	s31 =	simm.s32 $0xB800  }
0x1ab: {  	[tilespmem:s31], [sflag:$0x3] =	stream.indirect_vreg.gather [hbm4b:s7+s3], $0x80, v2, vm0, $0xb8;
	[tilespmem:$0x1A000] =	vst v63  }
0x1ac: {  	s24 =	simm.s32 $0xC000  }
0x1ad: {  	[tilespmem:s24], [sflag:$0x3] =	stream.indirect_vreg.gather [hbm4b:s8+s3], $0x80, v2, vm0, $0xb8;
	[tilespmem:$0x1A000] =	vst v63  }
0x1ae: {  	p0 =	sne.s32 s30, $0x18000;
	s31 =	simm.s32 $0xC800  }
0x1af: {  	[tilespmem:s31], [sflag:$0x3] =	stream.indirect_vreg.gather [hbm4b:s9+s3], $0x80, v2, vm0, $0xb8;
	[tilespmem:$0x1A000] =	vst v63  }
.Ltmp0:
0x1b0: {  	s30 =	sadd.s32 $0x3000, s30;
	(pc) =	sbr.rel @p0 .LBB2_2-.Ltmp0, $4  }
0x1b1: {  	s19 =	simm.s32 $0x2000;
	s20 =	simm.s32 $0x6000;
	s24 =	simm.s32 $0xD000  }
0x1b2: {  	[tilespmem:s24], [sflag:$0x3] =	stream.indirect_vreg.gather [hbm4b:s10+s3], $0x80, v2, vm0, $0xb8;
	[tilespmem:$0x1A000] =	vst v63  }
0x1b3: {  	s17 =	simm.s32 $0xA000;
	s11 =	sadd.s32 $0x300, s11;
	s31 =	simm.s32 $0xD800  }
0x1b4: {  	[tilespmem:s31], [sflag:$0x3] =	stream.indirect_vreg.gather [hbm4b:s12+s3], $0x80, v2, vm0, $0xb8;
	[tilespmem:$0x1A000] =	vst v63  }
0x1b5: {  	s11 =	simm.s32 $0x1  }
0x1b6: {  	_ =	swait.ge [sflag:s11], $0x4000  }
0x1b7: {  	[sflag:s11] =	ssyncset.done $0x0  }
0x1b8: {  	s23 =	rddreg [dreg:$0xc];
	[sflag:s11] =	ssyncadd.s32 $0xFFFFC000  }
0x1b9: {  	[hbm4b:s23+s3] =	stream.linear.scatter [tilespmem:s19], [sflag:$0x7], $0x4000, $0x38;
	[tilespmem:$0x1A000] =	vst v63  }
0x1ba: {  	_ =	swait.ge [sflag:s15], $0x4000  }
0x1bb: {  	[sflag:s15] =	ssyncset.done $0x0  }
0x1bc: {  	[sflag:s15] =	ssyncadd.s32 $0xFFFFC000  }
0x1bd: {  	v2 =	vld.msk [tilespmem:$0x1F80], $0xff;
	_ =	sdelay $0x4  }
0x1be: {  	v3 =	vshll.u32 v2, $0x4  }
0x1bf: {  	v2 =	vand.u32 $0x7, v2;
	v3 =	vand.u32 $0xFFFFFF80, v3  }
0x1c0: {  	v2 =	vor.u32 v2, v3  }
0x1c1: {  	v2 =	vperm.xlane v2, v0;
	_ =	sdelay $0x1  }
0x1c2: {  	v2 =	vadd.s32 v1, v2;
	_ =	sdelay $0x3  }
0x1c3: {  	s19 =	simm.s32 $0xE000  }
0x1c4: {  	[tilespmem:s19], [sflag:$0x4] =	stream.indirect_vreg.gather [hbm4b:s2+s3], $0x80, v2, vm0, $0xb8;
	[tilespmem:$0x1A000] =	vst v63  }
0x1c5: {  	s24 =	simm.s32 $0xE800  }
0x1c6: {  	[tilespmem:s24], [sflag:$0x4] =	stream.indirect_vreg.gather [hbm4b:s5+s3], $0x80, v2, vm0, $0xb8;
	[tilespmem:$0x1A000] =	vst v63  }
0x1c7: {  	s28 =	simm.s32 $0xF000  }
0x1c8: {  	[tilespmem:s28], [sflag:$0x4] =	stream.indirect_vreg.gather [hbm4b:s6+s3], $0x80, v2, vm0, $0xb8;
	[tilespmem:$0x1A000] =	vst v63  }
0x1c9: {  	s29 =	simm.s32 $0xF800  }
0x1ca: {  	[tilespmem:s29], [sflag:$0x4] =	stream.indirect_vreg.gather [hbm4b:s7+s3], $0x80, v2, vm0, $0xb8;
	[tilespmem:$0x1A000] =	vst v63  }
0x1cb: {  	s23 =	simm.s32 $0x10000  }
0x1cc: {  	[tilespmem:s23], [sflag:$0x4] =	stream.indirect_vreg.gather [hbm4b:s8+s3], $0x80, v2, vm0, $0xb8;
	[tilespmem:$0x1A000] =	vst v63  }
0x1cd: {  	s24 =	simm.s32 $0x10800  }
0x1ce: {  	[tilespmem:s24], [sflag:$0x4] =	stream.indirect_vreg.gather [hbm4b:s9+s3], $0x80, v2, vm0, $0xb8;
	[tilespmem:$0x1A000] =	vst v63  }
0x1cf: {  	s28 =	simm.s32 $0x11000  }
0x1d0: {  	[tilespmem:s28], [sflag:$0x4] =	stream.indirect_vreg.gather [hbm4b:s10+s3], $0x80, v2, vm0, $0xb8;
	[tilespmem:$0x1A000] =	vst v63  }
0x1d1: {  	s29 =	simm.s32 $0x11800  }
0x1d2: {  	[tilespmem:s29], [sflag:$0x4] =	stream.indirect_vreg.gather [hbm4b:s12+s3], $0x80, v2, vm0, $0xb8;
	[tilespmem:$0x1A000] =	vst v63  }
0x1d3: {  	_ =	swait.ge [sflag:s16], $0x4000  }
0x1d4: {  	[sflag:s16] =	ssyncset.done $0x0  }
0x1d5: {  	s23 =	rddreg [dreg:$0xd];
	[sflag:s16] =	ssyncadd.s32 $0xFFFFC000  }
0x1d6: {  	[hbm4b:s23+s3] =	stream.linear.scatter [tilespmem:s20], [sflag:$0x8], $0x4000, $0x38;
	[tilespmem:$0x1A000] =	vst v63  }
0x1d7: {  	_ =	swait.ge [sflag:s21], $0x4000  }
0x1d8: {  	[sflag:s21] =	ssyncset.done $0x0  }
0x1d9: {  	[sflag:s21] =	ssyncadd.s32 $0xFFFFC000  }
0x1da: {  	_ =	swait.ge [sflag:s25], $0x4000  }
0x1db: {  	[sflag:s25] =	ssyncset.done $0x0  }
0x1dc: {  	s24 =	rddreg [dreg:$0xe];
	[sflag:s25] =	ssyncadd.s32 $0xFFFFC000  }
0x1dd: {  	[hbm4b:s24+s3] =	stream.linear.scatter [tilespmem:s17], [sflag:$0x9], $0x4000, $0x38;
	[tilespmem:$0x1A000] =	vst v63  }
0x1de: {  	_ =	swait.ge [sflag:s22], $0x4000  }
0x1df: {  	[sflag:s22] =	ssyncset.done $0x0  }
0x1e0: {  	[sflag:s22] =	ssyncadd.s32 $0xFFFFC000  }
0x1e1: {  	_ =	swait.ge [sflag:s0], $0x4000  }
0x1e2: {  	[sflag:s0] =	ssyncset.done $0x0  }
0x1e3: {  	s28 =	rddreg [dreg:$0xf];
	[sflag:s0] =	ssyncadd.s32 $0xFFFFC000  }
0x1e4: {  	[hbm4b:s28+s3] =	stream.linear.scatter [tilespmem:s19], [sflag:$0xA], $0x4000, $0x38;
	[tilespmem:$0x1A000] =	vst v63  }
0x1e5: {  	_ =	swait.ge [sflag:s18], $0x4000  }
0x1e6: {  	[sflag:s18] =	ssyncset.done $0x0  }
0x1e7: {  	[sflag:s18] =	ssyncadd.s32 $0xFFFFC000  }
0x1e8: {  	_ =	swait.ge [sflag:s13], $0x4000  }
0x1e9: {  	[sflag:s13] =	ssyncset.done $0x0  }
0x1ea: {  	[sflag:s13] =	ssyncadd.s32 $0xFFFFC000  }
0x1eb: {  	_ =	swait.ge [sflag:s26], $0x4000  }
0x1ec: {  	[sflag:s26] =	ssyncset.done $0x0  }
0x1ed: {  	[sflag:s26] =	ssyncadd.s32 $0xFFFFC000  }
0x1ee: {  	_ =	swait.ge [sflag:s15], $0x4000  }
0x1ef: {  	s24 =	rddreg [dreg:$0x11]  }
0x1f0: {  	s29 =	rddreg [dreg:$0x10];
	s24 =	sadd.s32 $0x1, s24  }
0x1f1: {  	p0 =	sne.s32 s24, s29  }
.Ltmp1:
0x1f2: {  	_ = 	snop;
	(pc) =	sbr.rel @p0 .LBB2_1-.Ltmp1, $4  }
0x1f3: {  	_ = 	snop  }
0x1f4: {  	s31 =	simm.s32 $0x4800;
	s30 =	simm.s32 $0x5800  }
0x1f5: {  	s23 =	simm.s32 $0x2800;
	s20 =	simm.s32 $0x5000;
	[sflag:s15] =	ssyncset.done $0x0  }
0x1f6: {  	s17 =	simm.s32 $0x4000;
	s19 =	simm.s32 $0x3800;
	[sflag:s15] =	ssyncadd.s32 $0xFFFFC000  }
0x1f7: {  	_ =	sfence.sel $0x180000  }
0x1f8: {  	[bflag:$0x0] =	sbarrier.arrive $0xFFFF  }
0x1f9: {  	_ =	strace $0x90000047  }
0x1fa: {  	s0 =	stileid.u32;
	[bflag:$0x2] =	sbarrier.arrive $0xFFFF  }
0x1fb: {  	p0 =	sne.s32 s0, $0x0;
	s0 =	rddreg [dreg:$0x3]  }
0x1fc: {  	s0 =	sadd.s32 @!p0 $0x100000, s0  }
0x1fd: {  	[sflag:s0] =	ssyncadd.tile.s32 @!p0 $0x1;
	_ =	shalt  }
.Lfunc_end2:
_tile_overlayer_lowered:
.L_overlay_start_2:
0x1fe: {  	(tag) =	ssettag $0x2  }
0x1ff: {  	s0 =	rddreg [dreg:$0x0];
	s2 =	stileid.u32  }
0x200: {  	s1 =	rddreg [dreg:$0x1];
	p0 =	sne.s32 s2, $0x0  }
0x201: {  	s3 =	rddreg [dreg:$0x2];
	[bflag:$0x3] =	sbarrier.arrive $0xFFFF;
	s2 =	simm.s32 @!p0 $0x1C0D  }
0x202: {  	[timem:s3], [sflag:s2] =	dma.local @!p0 [hbm:s0], s1  }
0x203: {  	s0 =	simm.s32 @!p0 $0xD  }
0x204: {  	_ =	swait.ge @!p0 [sflag:s0], s1  }
0x205: {  	s1 =	ssub.s32 @!p0 $0x0, s1;
	[sflag:s0] =	ssyncset.done @!p0 $0x0  }
0x206: {  	[sflag:s0] =	ssyncadd.s32 @!p0 s1  }
0x207: {  	[bflag:$0x3] =	sbarrier.arrive $0xFFFF  }
0x208: {  	_ =	shalt  }

</sc_bundles>
